<compile_context>
chip_gen: v7x
topology: tpu7x:2x2x1
jax: 0.10.2.dev20260603
libtpu: 0.0.44.dev20260713+nightly
codegen_flags: <defaults>
</compile_context>

<pallas_src>
import functools

import jax
import jax.numpy as jnp
from jax import lax
from jax.experimental import pallas as pl
from jax.experimental.pallas import tpu as pltpu
from jax.experimental.pallas import tpu_sc as plsc

VX, VY = 0.2, 0.2
XMIN, YMIN = -51.2, -51.2
H, W = 512, 512
C1, C2 = 32, 64
HWT = H * W

NC, NS = 2, 16
NTILES = NC * NS
NPT = 6400
NPAD = NPT * NTILES
NRE = 200000
CH = 128
NCH = NPT // CH

HALF = HWT // 2
HROWS = HALF + 192
ZW = 4 * HROWS // NS

NB = 288
BK = 1024
GSZ = NPAD + NB * CH

S2 = 1024
R2 = HWT // (S2 * NTILES)
S1 = 2048
R1 = HWT // (S1 * NTILES)

_mesh = functools.partial(
    plsc.VectorSubcoreMesh, core_axis_name="c", subcore_axis_name="s")


def _tid():
    return lax.axis_index("c") * NS + lax.axis_index("s")



def _stats_body(lin_hbm, xp_hbm, yp_hbm, zp_hbm, zz_hbm, out_hbm, idx_v,
                idxc_v, col_v, ones_v, shared, sem):
    c = lax.axis_index("c")
    s = lax.axis_index("s")
    tid = c * NS + s

    @pl.when(s == 0)
    def _():
        pltpu.sync_copy(zz_hbm, shared)

    one16 = jnp.full((16,), 1.0, jnp.float32)
    for i in range(CH // 16):
        ones_v[pl.ds(i * 16, 16)] = one16
    plsc.subcore_barrier()
    base = s * (NPAD // NS)
    iota = lax.iota(jnp.int32, 16)

    def chunk(k, carry):
        off = base + k * CH
        pltpu.sync_copy(lin_hbm.at[pl.ds(off, CH)], idx_v)
        for i in range(CH // 16):
            v = idx_v[pl.ds(i * 16, 16)]
            vl = v - c * HALF
            inr = (vl >= 0) & (vl < HALF)
            sent = HALF + iota * 8 + i
            idx_v[pl.ds(i * 16, 16)] = jnp.where(inr, vl, sent)
        for c4, src in enumerate((xp_hbm, yp_hbm, zp_hbm, None)):
            for i in range(CH // 16):
                idxc_v[pl.ds(i * 16, 16)] = (idx_v[pl.ds(i * 16, 16)]
                                             + c4 * HROWS)
            if src is None:
                pltpu.sync_copy(ones_v, shared.at[idxc_v], add=True)
            else:
                pltpu.sync_copy(src.at[pl.ds(off, CH)], col_v)
                pltpu.sync_copy(col_v, shared.at[idxc_v], add=True)
        return carry

    lax.fori_loop(0, NPAD // NS // CH, chunk, 0)
    plsc.subcore_barrier()

    @pl.when(s == 0)
    def _():
        pltpu.sync_copy(shared, out_hbm.at[pl.ds(c * (4 * HROWS),
                                                 4 * HROWS)])


@jax.jit
def _sc_stats(lin_pad, xp, yp, zp, zz):
    return pl.kernel(
        _stats_body,
        out_type=jax.ShapeDtypeStruct((NC * 4 * HROWS,), jnp.float32),
        mesh=_mesh(),
        scratch_types=[
            pltpu.VMEM((CH,), jnp.int32),
            pltpu.VMEM((CH,), jnp.int32),
            pltpu.VMEM((CH,), jnp.float32),
            pltpu.VMEM((CH,), jnp.float32),
            pltpu.VMEM_SHARED((4 * HROWS,), jnp.float32),
            pltpu.SemaphoreType.DMA,
        ],
    )(lin_pad, xp, yp, zp, zz)



def _gather_body(tab_hbm, idx_hbm, out_hbm, idx_v, rows_v, sem):
    base = _tid() * NPT

    def chunk(k, carry):
        off = base + k * CH
        pltpu.sync_copy(idx_hbm.at[pl.ds(off, CH)], idx_v)
        pltpu.async_copy(tab_hbm.at[idx_v], rows_v, sem).wait()
        pltpu.sync_copy(rows_v, out_hbm.at[pl.ds(off, CH)])
        return carry

    lax.fori_loop(0, NCH, chunk, 0)


@functools.partial(jax.jit, static_argnums=2)
def _sc_gather(tab, idx, cols):
    return pl.kernel(
        _gather_body,
        out_type=jax.ShapeDtypeStruct((NPAD, cols), jnp.float32),
        mesh=_mesh(),
        scratch_types=[
            pltpu.VMEM((CH,), jnp.int32),
            pltpu.VMEM((CH, cols), jnp.float32),
            pltpu.SemaphoreType.DMA,
        ],
    )(tab, idx)



def _hist_body(lin_hbm, hist_hbm, idx_v, cnt_v):
    tid = _tid()
    iota = lax.iota(jnp.int32, 16)
    one0 = (iota == 0).astype(jnp.int32)
    zero16 = jnp.zeros((16,), jnp.int32)
    for i in range(NB // 16):
        cnt_v[pl.ds(i * 16, 16)] = zero16
    base = tid * NPT

    def chunk(k, carry):
        pltpu.sync_copy(lin_hbm.at[pl.ds(base + k * CH, CH)], idx_v)

        def vr(v, c2):
            w = idx_v[pl.ds(v * 16, 16)]
            for lane in range(16):
                b = w[lane] >> 10
                cnt_v[pl.ds(b, 16)] = cnt_v[pl.ds(b, 16)] + one0
            return c2

        lax.fori_loop(0, CH // 16, vr, 0)
        return carry

    lax.fori_loop(0, NCH, chunk, 0)
    pltpu.sync_copy(cnt_v, hist_hbm.at[tid])


@jax.jit
def _sc_hist(lin_pad):
    return pl.kernel(
        _hist_body,
        out_type=jax.ShapeDtypeStruct((NTILES, NB), jnp.int32),
        mesh=_mesh(),
        scratch_types=[
            pltpu.VMEM((CH,), jnp.int32),
            pltpu.VMEM((NB,), jnp.int32),
        ],
    )(lin_pad)



def _place_body(lin_hbm, cur_hbm, gpos_hbm, glin_hbm, idx_v, cur_v, tgt_v,
                val_v):
    tid = _tid()
    pltpu.sync_copy(cur_hbm.at[tid], cur_v)
    base = tid * NPT
    iota = lax.iota(jnp.int32, 16)
    one0 = (iota == 0).astype(jnp.int32)

    def chunk(k, carry):
        off = base + k * CH
        pltpu.sync_copy(lin_hbm.at[pl.ds(off, CH)], idx_v)

        def vr(v, c2):
            w = idx_v[pl.ds(v * 16, 16)]
            acc = jnp.zeros((16,), jnp.int32)
            for lane in range(16):
                b = w[lane] >> 10
                cw = cur_v[pl.ds(b, 16)]
                cur_v[pl.ds(b, 16)] = cw + one0
                acc = jnp.where(iota == lane, cw[0], acc)
            tgt_v[pl.ds(v * 16, 16)] = acc
            val_v[pl.ds(v * 16, 16)] = off + v * 16 + iota
            return c2

        lax.fori_loop(0, CH // 16, vr, 0)
        pltpu.sync_copy(val_v, gpos_hbm.at[tgt_v])
        pltpu.sync_copy(idx_v, glin_hbm.at[tgt_v])
        return carry

    lax.fori_loop(0, NCH, chunk, 0)


@jax.jit
def _sc_place(lin_pad, cursors):
    return pl.kernel(
        _place_body,
        out_type=(jax.ShapeDtypeStruct((GSZ,), jnp.int32),
                  jax.ShapeDtypeStruct((GSZ,), jnp.int32)),
        mesh=_mesh(),
        scratch_types=[
            pltpu.VMEM((CH,), jnp.int32),
            pltpu.VMEM((NB,), jnp.int32),
            pltpu.VMEM((CH,), jnp.int32),
            pltpu.VMEM((CH,), jnp.int32),
        ],
    )(lin_pad, cursors)



def _max1_body(gpos_hbm, glin_hbm, base_hbm, cntb_hbm, h_hbm, v1_hbm,
               base_v, cntb_v, pos_v, lin_v, rows_v, tab1, sem):
    tid = _tid()
    pltpu.sync_copy(base_hbm, base_v)
    pltpu.sync_copy(cntb_hbm, cntb_v)
    iota = lax.iota(jnp.int32, 16)
    zero16 = jnp.zeros((16,), jnp.float32)

    def rnd(r, carry):
        st = r * NTILES + tid
        lo = st * S1

        def zr(z, c2):
            tab1[pl.ds(z * 16, 16)] = zero16
            return c2

        lax.fori_loop(0, S1 * C1 // 16, zr, 0)

        for bb in range(2):
            b = 2 * st + bb
            b0 = base_v[pl.ds(b, 16)][0]
            n = cntb_v[pl.ds(b, 16)][0]
            nch = (n + CH - 1) >> 7

            def chunk(k, c2):
                a = pl.multiple_of(b0 + k * CH, CH)
                pltpu.sync_copy(gpos_hbm.at[pl.ds(a, CH)], pos_v)
                pltpu.sync_copy(glin_hbm.at[pl.ds(a, CH)], lin_v)
                rem = n - k * CH
                for i in range(CH // 16):
                    v = pos_v[pl.ds(i * 16, 16)]
                    ok = (iota + i * 16 < rem) & (v >= 0) & (v < NRE)
                    pos_v[pl.ds(i * 16, 16)] = jnp.where(ok, v, 0)
                pltpu.async_copy(h_hbm.at[pos_v], rows_v, sem).wait()
                m = jnp.minimum(CH, rem)

                def vr(v, c3):
                    linw = lin_v[pl.ds(v * 16, 16)]
                    for lane in range(16):
                        i = v * 16 + lane

                        @pl.when(i < m)
                        def _():
                            p = (linw[lane] - lo) * C1
                            for j in range(C1 // 16):
                                t = tab1[pl.ds(p + j * 16, 16)]
                                u = rows_v[i, pl.ds(j * 16, 16)]
                                tab1[pl.ds(p + j * 16, 16)] = jnp.maximum(t, u)
                    return c3

                lax.fori_loop(0, CH // 16, vr, 0)
                return c2

            lax.fori_loop(0, nch, chunk, 0)

        pltpu.sync_copy(tab1, v1_hbm.at[pl.ds(st * (S1 * C1), S1 * C1)])
        return carry

    lax.fori_loop(0, R1, rnd, 0)


@jax.jit
def _sc_max1(gpos, glin, base, cntb, h1):
    return pl.kernel(
        _max1_body,
        out_type=jax.ShapeDtypeStruct((HWT * C1,), jnp.float32),
        mesh=_mesh(),
        scratch_types=[
            pltpu.VMEM((NB,), jnp.int32),
            pltpu.VMEM((NB,), jnp.int32),
            pltpu.VMEM((CH,), jnp.int32),
            pltpu.VMEM((CH,), jnp.int32),
            pltpu.VMEM((CH, 128), jnp.float32),
            pltpu.VMEM((S1 * C1,), jnp.float32),
            pltpu.SemaphoreType.DMA,
        ],
    )(gpos, glin, base, cntb, h1)



def _max2_body(gpos_hbm, glin_hbm, base_hbm, cntb_hbm, h_hbm, v2_hbm,
               base_v, cntb_v, pos_v, lin_v, rows_v, tab2, sem):
    tid = _tid()
    pltpu.sync_copy(base_hbm, base_v)
    pltpu.sync_copy(cntb_hbm, cntb_v)
    iota = lax.iota(jnp.int32, 16)
    zero16 = jnp.zeros((16,), jnp.float32)

    def rnd(r, carry):
        st = r * NTILES + tid
        lo = st * S2

        def zr(z, c2):
            tab2[pl.ds(z * 16, 16)] = zero16
            return c2

        lax.fori_loop(0, S2 * C2 // 16, zr, 0)

        b0 = base_v[pl.ds(st, 16)][0]
        n = cntb_v[pl.ds(st, 16)][0]
        nch = (n + CH - 1) >> 7

        def chunk(k, c2):
            a = pl.multiple_of(b0 + k * CH, CH)
            pltpu.sync_copy(gpos_hbm.at[pl.ds(a, CH)], pos_v)
            pltpu.sync_copy(glin_hbm.at[pl.ds(a, CH)], lin_v)
            rem = n - k * CH
            for i in range(CH // 16):
                v = pos_v[pl.ds(i * 16, 16)]
                ok = (iota + i * 16 < rem) & (v >= 0) & (v < NRE)
                pos_v[pl.ds(i * 16, 16)] = jnp.where(ok, v, 0)
            pltpu.async_copy(h_hbm.at[pos_v], rows_v, sem).wait()
            m = jnp.minimum(CH, rem)

            def vr(v, c3):
                linw = lin_v[pl.ds(v * 16, 16)]
                for lane in range(16):
                    i = v * 16 + lane

                    @pl.when(i < m)
                    def _():
                        pofs = (linw[lane] - lo) * C2
                        for j in range(C2 // 16):
                            t = tab2[pl.ds(pofs + j * 16, 16)]
                            u = rows_v[i, pl.ds(j * 16, 16)]
                            tab2[pl.ds(pofs + j * 16, 16)] = jnp.maximum(t, u)
                return c3

            lax.fori_loop(0, CH // 16, vr, 0)
            return c2

        lax.fori_loop(0, nch, chunk, 0)
        pltpu.sync_copy(tab2, v2_hbm.at[pl.ds(st * (S2 * C2), S2 * C2)])
        return carry

    lax.fori_loop(0, R2, rnd, 0)


@jax.jit
def _sc_max2(gpos, glin, base, cntb, h2):
    return pl.kernel(
        _max2_body,
        out_type=jax.ShapeDtypeStruct((HWT * C2,), jnp.float32),
        mesh=_mesh(),
        scratch_types=[
            pltpu.VMEM((NB,), jnp.int32),
            pltpu.VMEM((NB,), jnp.int32),
            pltpu.VMEM((CH,), jnp.int32),
            pltpu.VMEM((CH,), jnp.int32),
            pltpu.VMEM((CH, 128), jnp.float32),
            pltpu.VMEM((S2 * C2,), jnp.float32),
            pltpu.SemaphoreType.DMA,
        ],
    )(gpos, glin, base, cntb, h2)



def _mm_bn_kern(x_ref, w_ref, s_ref, o_ref):
    z = jax.lax.dot_general(x_ref[...], w_ref[...], (((1,), (0,)), ((), ())),
                            preferred_element_type=jnp.float32)
    o_ref[...] = z + s_ref[...]


def _mm_bn(x, w, shift, block_rows=2048):
    n, k = x.shape
    c = w.shape[1]
    return pl.pallas_call(
        _mm_bn_kern,
        grid=(n // block_rows,),
        in_specs=[
            pl.BlockSpec((block_rows, k), lambda i: (i, 0)),
            pl.BlockSpec((k, c), lambda i: (0, 0)),
            pl.BlockSpec((1, c), lambda i: (0, 0)),
        ],
        out_specs=pl.BlockSpec((block_rows, c), lambda i: (i, 0)),
        out_shape=jax.ShapeDtypeStruct((n, c), jnp.float32),
    )(x, w, shift)


def _fold_bn(Wm, b, g, beta, rm, rv):
    scale = g / jnp.sqrt(rv + 1e-5)
    return Wm * scale[None, :], (b - rm) * scale + beta



def _relu_slice_kern(x_ref, o_ref):
    o_ref[...] = jnp.maximum(x_ref[...], 0.0)


def _tc_relu_slice(z, n, block_rows=2000):
    c = z.shape[1]
    return pl.pallas_call(
        _relu_slice_kern,
        grid=(n // block_rows,),
        in_specs=[pl.BlockSpec((block_rows, c), lambda i: (i, 0))],
        out_specs=pl.BlockSpec((block_rows, c), lambda i: (i, 0)),
        out_shape=jax.ShapeDtypeStruct((n, c), jnp.float32),
    )(z)


def _canvas_kern(x_ref, o_ref):
    o_ref[...] = x_ref[...].T.reshape(C2, 8, W)


def _tc_canvas(v2):
    return pl.pallas_call(
        _canvas_kern,
        grid=(H // 8,),
        in_specs=[pl.BlockSpec((8 * W, C2), lambda i: (i, 0))],
        out_specs=pl.BlockSpec((C2, 8, W), lambda i: (0, i, 0)),
        out_shape=jax.ShapeDtypeStruct((C2, H, W), jnp.float32),
    )(v2)



def kernel(points, W1, b1, g1, beta1, rm1, rv1, W2, b2, g2, beta2, rm2, rv2):
    pts = points[0]
    N = pts.shape[0]
    x = pts[:, 0]
    y = pts[:, 1]
    ix = jnp.clip(jnp.floor((x - XMIN) / VX).astype(jnp.int32), 0, W - 1)
    iy = jnp.clip(jnp.floor((y - YMIN) / VY).astype(jnp.int32), 0, H - 1)
    lin = iy * W + ix

    npad = NPAD - N
    lin_pad = jnp.concatenate(
        [lin, HWT + (jnp.arange(npad, dtype=jnp.int32) % 2048)])
    ling = jnp.concatenate([lin, jnp.zeros((npad,), jnp.int32)])
    zpadf = jnp.zeros((npad,), jnp.float32)
    xp = jnp.concatenate([x, zpadf])
    yp = jnp.concatenate([y, zpadf])
    zp = jnp.concatenate([pts[:, 2], zpadf])
    zz = jnp.zeros((4 * HROWS,), jnp.float32)

    tabs = _sc_stats(lin_pad, xp, yp, zp, zz).reshape(NC, 4, HROWS)
    tabT = jnp.concatenate(
        [tabs[0, :, :HALF], tabs[1, :, :HALF]], axis=1)
    mean4 = tabT.T / jnp.maximum(tabT[3][:, None], 1.0)

    mean4p = jnp.concatenate(
        [mean4, jnp.zeros((HWT, 124), jnp.float32)], axis=1)
    mg = _sc_gather(mean4p, ling, 128)
    f_cluster = pts - mg[:N, :3]
    cx = (ix.astype(jnp.float32) + 0.5) * VX + XMIN
    cy = (iy.astype(jnp.float32) + 0.5) * VY + YMIN
    f_center = jnp.stack([x - cx, y - cy], axis=1)
    feats = jnp.concatenate([pts, f_cluster, f_center], axis=1)

    W1f, s1 = _fold_bn(W1, b1, g1, beta1, rm1, rv1)
    W2f, s2 = _fold_bn(W2, b2, g2, beta2, rm2, rv2)
    z1 = _mm_bn(feats, W1f, s1[None, :], block_rows=2000)
    h1 = jnp.maximum(z1, 0.0)

    bkt = lin_pad >> 10
    cnts = jnp.zeros((NB,), jnp.int32).at[bkt].add(1)
    sizes = ((cnts + CH - 1) // CH) * CH
    base = jnp.concatenate(
        [jnp.zeros((1,), jnp.int32), jnp.cumsum(sizes)[:-1].astype(jnp.int32)])
    order = jnp.argsort(bkt, stable=True).astype(jnp.int32)
    sb = bkt[order]
    cum = jnp.concatenate(
        [jnp.zeros((1,), jnp.int32), jnp.cumsum(cnts)[:-1].astype(jnp.int32)])
    tgt = base[sb] + (jnp.arange(NPAD, dtype=jnp.int32) - cum[sb])
    gpos = jnp.zeros((GSZ,), jnp.int32).at[tgt].set(order)
    glin = jnp.zeros((GSZ,), jnp.int32).at[tgt].set(lin_pad[order])

    h1sc = jnp.concatenate(
        [jnp.maximum(z1 + tabs[0, 0, 0] * 0.0, 0.0),
         jnp.zeros((NRE, 128 - C1), jnp.float32)], axis=1)
    v1 = _sc_max1(gpos, glin, base, cnts.astype(jnp.int32),
                  h1sc).reshape(HWT, C1)
    v1p = jnp.concatenate(
        [v1, jnp.zeros((HWT, 128 - C1), jnp.float32)], axis=1)
    v1g = _sc_gather(v1p, ling, 128)
    h1cp = jnp.concatenate([h1, v1g[:N, :C1]], axis=1)
    z2 = _mm_bn(h1cp, W2f, s2[None, :], block_rows=2000)
    h2 = jnp.maximum(h1cp @ W2f + s2[None, :], 0.0)

    h2sc = jnp.concatenate(
        [jnp.maximum(z2 + tabs[0, 0, 0] * 0.0, 0.0),
         jnp.zeros((NRE, 128 - C2), jnp.float32)], axis=1)
    v2 = _sc_max2(gpos, glin, base, cnts.astype(jnp.int32),
                  h2sc).reshape(HWT, C2)
    pseudo = _tc_canvas(v2)
    return pseudo[None], h2[None]

# --- scband reference (transcript-rebuilt; emitter-appended) ---
"""Pipeline reference for scband-old-lidar-dynamic-embedder-90950227460837 (READ-ONLY COPY).

The authoritative reference and input builder live on the scoring server;
editing this copy changes nothing except your own understanding.
"""

import jax, jax.numpy as jnp
import numpy as np

VX, VY = 0.2, 0.2
XMIN, YMIN, ZMIN = -51.2, -51.2, -3.0
XMAX, YMAX, ZMAX = 51.2, 51.2, 3.0
H, W = 512, 512
C1, C2 = 32, 64


def setup_inputs(seed: int = 0) -> dict:
    key = jax.random.key(seed)
    ks = jax.random.split(key, 4)
    B, N = 1, 200000
    u = jax.random.uniform(ks[0], (B, N, 3), dtype=jnp.float32)
    lo = jnp.array([XMIN, YMIN, ZMIN], dtype=jnp.float32)
    hi = jnp.array([XMAX, YMAX, ZMAX], dtype=jnp.float32)
    points = u * (hi - lo) + lo
    W1 = jax.random.normal(ks[1], (8, C1), dtype=jnp.float32) * (1.0 / np.sqrt(8.0))
    b1 = jnp.zeros((C1,), jnp.float32)
    g1 = jnp.ones((C1,), jnp.float32)
    beta1 = jnp.zeros((C1,), jnp.float32)
    rm1 = jnp.zeros((C1,), jnp.float32)
    rv1 = jnp.ones((C1,), jnp.float32)
    W2 = jax.random.normal(ks[2], (2 * C1, C2), dtype=jnp.float32) * (1.0 / np.sqrt(2.0 * C1))
    b2 = jnp.zeros((C2,), jnp.float32)
    g2 = jnp.ones((C2,), jnp.float32)
    beta2 = jnp.zeros((C2,), jnp.float32)
    rm2 = jnp.zeros((C2,), jnp.float32)
    rv2 = jnp.ones((C2,), jnp.float32)
    return {"points": points, "W1": W1, "b1": b1, "g1": g1, "beta1": beta1,
            "rm1": rm1, "rv1": rv1, "W2": W2, "b2": b2, "g2": g2,
            "beta2": beta2, "rm2": rm2, "rv2": rv2}


def _bn(x, g, b, m, v):
    return (x - m) / jnp.sqrt(v + 1e-5) * g + b


def _embed_one(pts, W1, b1, g1, beta1, rm1, rv1, W2, b2, g2, beta2, rm2, rv2):
    x = pts[:, 0]
    y = pts[:, 1]
    # DynamicVoxelizer: pillar coordinates (all generated points lie in range)
    ix = jnp.clip(jnp.floor((x - XMIN) / VX).astype(jnp.int32), 0, W - 1)
    iy = jnp.clip(jnp.floor((y - YMIN) / VY).astype(jnp.int32), 0, H - 1)
    lin = iy * W + ix
    HW = H * W
    # DynamicPillarFeatureNet: cluster center per pillar (dynamic mean via scatter-add)
    cnt = jax.ops.segment_sum(jnp.ones_like(x), lin, num_segments=HW)
    sums = jax.ops.segment_sum(pts, lin, num_segments=HW)
    mean = sums / jnp.maximum(cnt, 1.0)[:, None]
    f_cluster = pts - mean[lin]
    # offset from pillar geometric center
    cx = (ix.astype(jnp.float32) + 0.5) * VX + XMIN
    cy = (iy.astype(jnp.float32) + 0.5) * VY + YMIN
    f_center = jnp.stack([x - cx, y - cy], axis=1)
    feats = jnp.concatenate([pts, f_cluster, f_center], axis=1)  # [N, 8]
    # PFN layer 1: linear + BN(eval) + relu, then scatter-max per pillar, mix back
    h1 = jax.nn.relu(_bn(feats @ W1 + b1, g1, beta1, rm1, rv1))
    v1 = jax.ops.segment_max(h1, lin, num_segments=HW)
    v1 = jnp.where(jnp.isfinite(v1), v1, 0.0)
    h1c = jnp.concatenate([h1, v1[lin]], axis=1)  # [N, 2*C1]
    # PFN layer 2
    h2 = jax.nn.relu(_bn(h1c @ W2 + b2, g2, beta2, rm2, rv2))
    v2 = jax.ops.segment_max(h2, lin, num_segments=HW)
    v2 = jnp.where(jnp.isfinite(v2), v2, 0.0)  # [HW, C2]
    # PointPillarsScatter: dense canvas -> pseudo-image
    pseudo = v2.T.reshape(C2, H, W)
    return pseudo, h2


def reference(points, W1, b1, g1, beta1, rm1, rv1, W2, b2, g2, beta2, rm2, rv2):
    B = points.shape[0]
    pseudos = []
    pt_feats = []
    for bidx in range(B):
        p, f = _embed_one(points[bidx], W1, b1, g1, beta1, rm1, rv1,
                          W2, b2, g2, beta2, rm2, rv2)
        pseudos.append(p)
        pt_feats.append(f)
    return jnp.stack(pseudos, axis=0), jnp.stack(pt_feats, axis=0)

if __name__ == "__main__":
    import jax
    _d = setup_inputs()
    print(jax.jit(kernel)(*tuple(_d.values())))

</pallas_src>

<mosaic_0001>
#map = affine_map<(d0, d1) -> (0)>
module attributes {stable_mosaic.version = 14 : i64} {
  func.func @_stats_body(%arg0: i32, %arg1: i32, %arg2: memref<204800xi32, #tpu.memory_space<hbm>>, %arg3: memref<204800xf32, #tpu.memory_space<hbm>>, %arg4: memref<204800xf32, #tpu.memory_space<hbm>>, %arg5: memref<204800xf32, #tpu.memory_space<hbm>>, %arg6: memref<525056xf32, #tpu.memory_space<hbm>>, %arg7: memref<1050112xf32, #tpu.memory_space<hbm>>, %arg8: memref<128xi32, #tpu.memory_space<vmem>>, %arg9: memref<128xi32, #tpu.memory_space<vmem>>, %arg10: memref<128xf32, #tpu.memory_space<vmem>>, %arg11: memref<128xf32, #tpu.memory_space<vmem>>, %arg12: memref<525056xf32, #tpu.memory_space<vmem_shared>>, %arg13: memref<!tpu.dma_semaphore, #tpu.memory_space<semaphore_mem>>) attributes {dimension_semantics = [#tpu.dimension_semantics<core_parallel>, #tpu.dimension_semantics<subcore_parallel>], iteration_bounds = array<i64: 2, 16>, scalar_prefetch = 0 : i64, scratch_operands = 6 : i64, tpu.core_type = #tpu.core_type<sc_vector_subcore>, window_params = [{transform_indices = #map}, {transform_indices = #map}, {transform_indices = #map}, {transform_indices = #map}, {transform_indices = #map}, {transform_indices = #map}]} {
    %mul3A = arith.constant 16 : i32
    %mul3A_0 = arith.muli %arg0, %mul3A : i32
    %add3A = arith.addi %mul3A_0, %arg1 : i32
    %eq3A = arith.constant 0 : i32
    %eq3A_1 = arith.cmpi eq, %arg1, %eq3A : i32
    %convert_element_type3A = arith.extui %eq3A_1 : i1 to i32
    %cond3A = arith.constant 0 : i32
    %cond3A_2 = arith.cmpi ne, %convert_element_type3A, %cond3A : i32
    scf.if %cond3A_2 {
      "tpu.region"() ({
        %run_scoped3A = tpu.sem_alloc : memref<!tpu.dma_semaphore, #tpu.memory_space<semaphore_mem>>
        tpu.enqueue_dma source(%arg6 : memref<525056xf32, #tpu.memory_space<hbm>>) target(%arg12 : memref<525056xf32, #tpu.memory_space<vmem_shared>>) target_semaphore(%run_scoped3A : memref<!tpu.dma_semaphore, #tpu.memory_space<semaphore_mem>>)
        tpu.wait_dma2 semaphore(%run_scoped3A : memref<!tpu.dma_semaphore, #tpu.memory_space<semaphore_mem>>) src(%arg6 : memref<525056xf32, #tpu.memory_space<hbm>>) dst(%arg12 : memref<525056xf32, #tpu.memory_space<vmem_shared>>)
        tpu.yield
      }) : () -> ()
    } else {
    }
    %broadcast_in_dim3A = arith.constant 1.000000e+00 : f32
    %broadcast_in_dim3A_3 = vector.broadcast %broadcast_in_dim3A : f32 to vector<16xf32>
    %swap3A = arith.constant 0 : index
    %swap3A_4 = tpu.vector_load %arg11[%swap3A] {strides = array<i32>} : memref<128xf32, #tpu.memory_space<vmem>>, vector<16xf32>,
    %swap3A_5 = vector.shape_cast %swap3A_4 : vector<16xf32> to vector<16xf32>
    %swap3A_6 = vector.shape_cast %broadcast_in_dim3A_3 : vector<16xf32> to vector<16xf32>
    tpu.vector_store %arg11[%swap3A], %swap3A_6 {strides = array<i32>} : memref<128xf32, #tpu.memory_space<vmem>>, vector<16xf32>,
    %swap3A_7 = arith.constant 16 : index
    %swap3A_8 = tpu.vector_load %arg11[%swap3A_7] {strides = array<i32>} : memref<128xf32, #tpu.memory_space<vmem>>, vector<16xf32>,
    %swap3A_9 = vector.shape_cast %swap3A_8 : vector<16xf32> to vector<16xf32>
    %swap3A_10 = vector.shape_cast %broadcast_in_dim3A_3 : vector<16xf32> to vector<16xf32>
    tpu.vector_store %arg11[%swap3A_7], %swap3A_10 {strides = array<i32>} : memref<128xf32, #tpu.memory_space<vmem>>, vector<16xf32>,
    %swap3A_11 = arith.constant 32 : index
    %swap3A_12 = tpu.vector_load %arg11[%swap3A_11] {strides = array<i32>} : memref<128xf32, #tpu.memory_space<vmem>>, vector<16xf32>,
    %swap3A_13 = vector.shape_cast %swap3A_12 : vector<16xf32> to vector<16xf32>
    %swap3A_14 = vector.shape_cast %broadcast_in_dim3A_3 : vector<16xf32> to vector<16xf32>
    tpu.vector_store %arg11[%swap3A_11], %swap3A_14 {strides = array<i32>} : memref<128xf32, #tpu.memory_space<vmem>>, vector<16xf32>,
    %swap3A_15 = arith.constant 48 : index
    %swap3A_16 = tpu.vector_load %arg11[%swap3A_15] {strides = array<i32>} : memref<128xf32, #tpu.memory_space<vmem>>, vector<16xf32>,
    %swap3A_17 = vector.shape_cast %swap3A_16 : vector<16xf32> to vector<16xf32>
    %swap3A_18 = vector.shape_cast %broadcast_in_dim3A_3 : vector<16xf32> to vector<16xf32>
    tpu.vector_store %arg11[%swap3A_15], %swap3A_18 {strides = array<i32>} : memref<128xf32, #tpu.memory_space<vmem>>, vector<16xf32>,
    %swap3A_19 = arith.constant 64 : index
    %swap3A_20 = tpu.vector_load %arg11[%swap3A_19] {strides = array<i32>} : memref<128xf32, #tpu.memory_space<vmem>>, vector<16xf32>,
    %swap3A_21 = vector.shape_cast %swap3A_20 : vector<16xf32> to vector<16xf32>
    %swap3A_22 = vector.shape_cast %broadcast_in_dim3A_3 : vector<16xf32> to vector<16xf32>
    tpu.vector_store %arg11[%swap3A_19], %swap3A_22 {strides = array<i32>} : memref<128xf32, #tpu.memory_space<vmem>>, vector<16xf32>,
    %swap3A_23 = arith.constant 80 : index
    %swap3A_24 = tpu.vector_load %arg11[%swap3A_23] {strides = array<i32>} : memref<128xf32, #tpu.memory_space<vmem>>, vector<16xf32>,
    %swap3A_25 = vector.shape_cast %swap3A_24 : vector<16xf32> to vector<16xf32>
    %swap3A_26 = vector.shape_cast %broadcast_in_dim3A_3 : vector<16xf32> to vector<16xf32>
    tpu.vector_store %arg11[%swap3A_23], %swap3A_26 {strides = array<i32>} : memref<128xf32, #tpu.memory_space<vmem>>, vector<16xf32>,
    %swap3A_27 = arith.constant 96 : index
    %swap3A_28 = tpu.vector_load %arg11[%swap3A_27] {strides = array<i32>} : memref<128xf32, #tpu.memory_space<vmem>>, vector<16xf32>,
    %swap3A_29 = vector.shape_cast %swap3A_28 : vector<16xf32> to vector<16xf32>
    %swap3A_30 = vector.shape_cast %broadcast_in_dim3A_3 : vector<16xf32> to vector<16xf32>
    tpu.vector_store %arg11[%swap3A_27], %swap3A_30 {strides = array<i32>} : memref<128xf32, #tpu.memory_space<vmem>>, vector<16xf32>,
    %swap3A_31 = arith.constant 112 : index
    %swap3A_32 = tpu.vector_load %arg11[%swap3A_31] {strides = array<i32>} : memref<128xf32, #tpu.memory_space<vmem>>, vector<16xf32>,
    %swap3A_33 = vector.shape_cast %swap3A_32 : vector<16xf32> to vector<16xf32>
    %swap3A_34 = vector.shape_cast %broadcast_in_dim3A_3 : vector<16xf32> to vector<16xf32>
    tpu.vector_store %arg11[%swap3A_31], %swap3A_34 {strides = array<i32>} : memref<128xf32, #tpu.memory_space<vmem>>, vector<16xf32>,
    %barrier3A = arith.constant 0 : index
    tpu.barrier barrier_id(%barrier3A)
    %mul3A_35 = arith.constant 12800 : i32
    %mul3A_36 = arith.muli %arg1, %mul3A_35 : i32
    %iota3A = tpu.iota {dimensions = array<i32: 0>} : vector<16xi32>
    %scan3A = arith.constant 0 : i32
    %scan3A_37 = arith.constant 0 : i32
    %scan3A_38 = arith.constant 100 : i32
    %scan3A_39 = arith.addi %scan3A_37, %scan3A_38 : i32
    %scan3A_40 = arith.constant 1 : i32
    scf.for %scan3A_48 = %scan3A_37 to %scan3A_39 step %scan3A_40  : i32 {
      %mul3A_49 = arith.constant 128 : i32
      %mul3A_50 = arith.muli %scan3A_48, %mul3A_49 : i32
      %add3A_51 = arith.addi %mul3A_36, %mul3A_50 : i32
      "tpu.region"() ({
        %run_scoped3A = tpu.sem_alloc : memref<!tpu.dma_semaphore, #tpu.memory_space<semaphore_mem>>
        %dma_start3A = tpu.memref_slice %arg2[%add3A_51] : memref<204800xi32, #tpu.memory_space<hbm>> -> memref<128xi32, #tpu.memory_space<hbm>>
        %dma_start3A_590 = tpu.memref_slice %arg2[%add3A_51] : memref<204800xi32, #tpu.memory_space<hbm>> -> memref<128xi32, #tpu.memory_space<hbm>>
        tpu.enqueue_dma source(%dma_start3A_590 : memref<128xi32, #tpu.memory_space<hbm>>) target(%arg8 : memref<128xi32, #tpu.memory_space<vmem>>) target_semaphore(%run_scoped3A : memref<!tpu.dma_semaphore, #tpu.memory_space<semaphore_mem>>)
        %dma_wait3A = tpu.memref_slice %arg2[%add3A_51] : memref<204800xi32, #tpu.memory_space<hbm>> -> memref<128xi32, #tpu.memory_space<hbm>>
        %dma_wait3A_591 = tpu.memref_slice %arg2[%add3A_51] : memref<204800xi32, #tpu.memory_space<hbm>> -> memref<128xi32, #tpu.memory_space<hbm>>
        tpu.wait_dma2 semaphore(%run_scoped3A : memref<!tpu.dma_semaphore, #tpu.memory_space<semaphore_mem>>) src(%dma_wait3A_591 : memref<128xi32, #tpu.memory_space<hbm>>) dst(%arg8 : memref<128xi32, #tpu.memory_space<vmem>>)
        tpu.yield
      }) : () -> ()
      %get3A = arith.constant 0 : index
      %get3A_52 = tpu.vector_load %arg8[%get3A] {strides = array<i32>} : memref<128xi32, #tpu.memory_space<vmem>>, vector<16xi32>,
      %get3A_53 = vector.shape_cast %get3A_52 : vector<16xi32> to vector<16xi32>
      %mul3A_54 = arith.constant 131072 : i32
      %mul3A_55 = arith.muli %arg0, %mul3A_54 : i32
      %sub3A = vector.broadcast %mul3A_55 : i32 to vector<16xi32>
      %sub3A_56 = arith.subi %get3A_53, %sub3A : vector<16xi32>
      %ge3A = arith.constant 0 : i32
      %ge3A_57 = vector.broadcast %ge3A : i32 to vector<16xi32>
      %ge3A_58 = arith.cmpi sge, %sub3A_56, %ge3A_57 : vector<16xi32>
      %lt3A = arith.constant 131072 : i32
      %lt3A_59 = vector.broadcast %lt3A : i32 to vector<16xi32>
      %lt3A_60 = arith.cmpi slt, %sub3A_56, %lt3A_59 : vector<16xi32>
      %and3A = arith.andi %ge3A_58, %lt3A_60 : vector<16xi1>
      %mul3A_61 = arith.constant 8 : i32
      %mul3A_62 = vector.broadcast %mul3A_61 : i32 to vector<16xi32>
      %mul3A_63 = arith.muli %iota3A, %mul3A_62 : vector<16xi32>
      %add3A_64 = arith.constant 131072 : i32
      %add3A_65 = vector.broadcast %add3A_64 : i32 to vector<16xi32>
      %add3A_66 = arith.addi %add3A_65, %mul3A_63 : vector<16xi32>
      %add3A_67 = arith.constant 0 : i32
      %add3A_68 = vector.broadcast %add3A_67 : i32 to vector<16xi32>
      %add3A_69 = arith.addi %add3A_66, %add3A_68 : vector<16xi32>
      %select_n3A = arith.select %and3A, %sub3A_56, %add3A_69 : vector<16xi1>, vector<16xi32>
      %swap3A_70 = arith.constant 0 : index
      %swap3A_71 = tpu.vector_load %arg8[%swap3A_70] {strides = array<i32>} : memref<128xi32, #tpu.memory_space<vmem>>, vector<16xi32>,
      %swap3A_72 = vector.shape_cast %swap3A_71 : vector<16xi32> to vector<16xi32>
      %swap3A_73 = vector.shape_cast %select_n3A : vector<16xi32> to vector<16xi32>
      tpu.vector_store %arg8[%swap3A_70], %swap3A_73 {strides = array<i32>} : memref<128xi32, #tpu.memory_space<vmem>>, vector<16xi32>,
      %get3A_74 = arith.constant 16 : index
      %get3A_75 = tpu.vector_load %arg8[%get3A_74] {strides = array<i32>} : memref<128xi32, #tpu.memory_space<vmem>>, vector<16xi32>,
      %get3A_76 = vector.shape_cast %get3A_75 : vector<16xi32> to vector<16xi32>
      %mul3A_77 = arith.constant 131072 : i32
      %mul3A_78 = arith.muli %arg0, %mul3A_77 : i32
      %sub3A_79 = vector.broadcast %mul3A_78 : i32 to vector<16xi32>
      %sub3A_80 = arith.subi %get3A_76, %sub3A_79 : vector<16xi32>
      %ge3A_81 = arith.constant 0 : i32
      %ge3A_82 = vector.broadcast %ge3A_81 : i32 to vector<16xi32>
      %ge3A_83 = arith.cmpi sge, %sub3A_80, %ge3A_82 : vector<16xi32>
      %lt3A_84 = arith.constant 131072 : i32
      %lt3A_85 = vector.broadcast %lt3A_84 : i32 to vector<16xi32>
      %lt3A_86 = arith.cmpi slt, %sub3A_80, %lt3A_85 : vector<16xi32>
      %and3A_87 = arith.andi %ge3A_83, %lt3A_86 : vector<16xi1>
      %mul3A_88 = arith.constant 8 : i32
      %mul3A_89 = vector.broadcast %mul3A_88 : i32 to vector<16xi32>
      %mul3A_90 = arith.muli %iota3A, %mul3A_89 : vector<16xi32>
      %add3A_91 = arith.constant 131072 : i32
      %add3A_92 = vector.broadcast %add3A_91 : i32 to vector<16xi32>
      %add3A_93 = arith.addi %add3A_92, %mul3A_90 : vector<16xi32>
      %add3A_94 = arith.constant 1 : i32
      %add3A_95 = vector.broadcast %add3A_94 : i32 to vector<16xi32>
      %add3A_96 = arith.addi %add3A_93, %add3A_95 : vector<16xi32>
      %select_n3A_97 = arith.select %and3A_87, %sub3A_80, %add3A_96 : vector<16xi1>, vector<16xi32>
      %swap3A_98 = arith.constant 16 : index
      %swap3A_99 = tpu.vector_load %arg8[%swap3A_98] {strides = array<i32>} : memref<128xi32, #tpu.memory_space<vmem>>, vector<16xi32>,
      %swap3A_100 = vector.shape_cast %swap3A_99 : vector<16xi32> to vector<16xi32>
      %swap3A_101 = vector.shape_cast %select_n3A_97 : vector<16xi32> to vector<16xi32>
      tpu.vector_store %arg8[%swap3A_98], %swap3A_101 {strides = array<i32>} : memref<128xi32, #tpu.memory_space<vmem>>, vector<16xi32>,
      %get3A_102 = arith.constant 32 : index
      %get3A_103 = tpu.vector_load %arg8[%get3A_102] {strides = array<i32>} : memref<128xi32, #tpu.memory_space<vmem>>, vector<16xi32>,
      %get3A_104 = vector.shape_cast %get3A_103 : vector<16xi32> to vector<16xi32>
      %mul3A_105 = arith.constant 131072 : i32
      %mul3A_106 = arith.muli %arg0, %mul3A_105 : i32
      %sub3A_107 = vector.broadcast %mul3A_106 : i32 to vector<16xi32>
      %sub3A_108 = arith.subi %get3A_104, %sub3A_107 : vector<16xi32>
      %ge3A_109 = arith.constant 0 : i32
      %ge3A_110 = vector.broadcast %ge3A_109 : i32 to vector<16xi32>
      %ge3A_111 = arith.cmpi sge, %sub3A_108, %ge3A_110 : vector<16xi32>
      %lt3A_112 = arith.constant 131072 : i32
      %lt3A_113 = vector.broadcast %lt3A_112 : i32 to vector<16xi32>
      %lt3A_114 = arith.cmpi slt, %sub3A_108, %lt3A_113 : vector<16xi32>
      %and3A_115 = arith.andi %ge3A_111, %lt3A_114 : vector<16xi1>
      %mul3A_116 = arith.constant 8 : i32
      %mul3A_117 = vector.broadcast %mul3A_116 : i32 to vector<16xi32>
      %mul3A_118 = arith.muli %iota3A, %mul3A_117 : vector<16xi32>
      %add3A_119 = arith.constant 131072 : i32
      %add3A_120 = vector.broadcast %add3A_119 : i32 to vector<16xi32>
      %add3A_121 = arith.addi %add3A_120, %mul3A_118 : vector<16xi32>
      %add3A_122 = arith.constant 2 : i32
      %add3A_123 = vector.broadcast %add3A_122 : i32 to vector<16xi32>
      %add3A_124 = arith.addi %add3A_121, %add3A_123 : vector<16xi32>
      %select_n3A_125 = arith.select %and3A_115, %sub3A_108, %add3A_124 : vector<16xi1>, vector<16xi32>
      %swap3A_126 = arith.constant 32 : index
      %swap3A_127 = tpu.vector_load %arg8[%swap3A_126] {strides = array<i32>} : memref<128xi32, #tpu.memory_space<vmem>>, vector<16xi32>,
      %swap3A_128 = vector.shape_cast %swap3A_127 : vector<16xi32> to vector<16xi32>
      %swap3A_129 = vector.shape_cast %select_n3A_125 : vector<16xi32> to vector<16xi32>
      tpu.vector_store %arg8[%swap3A_126], %swap3A_129 {strides = array<i32>} : memref<128xi32, #tpu.memory_space<vmem>>, vector<16xi32>,
      %get3A_130 = arith.constant 48 : index
      %get3A_131 = tpu.vector_load %arg8[%get3A_130] {strides = array<i32>} : memref<128xi32, #tpu.memory_space<vmem>>, vector<16xi32>,
      %get3A_132 = vector.shape_cast %get3A_131 : vector<16xi32> to vector<16xi32>
      %mul3A_133 = arith.constant 131072 : i32
      %mul3A_134 = arith.muli %arg0, %mul3A_133 : i32
      %sub3A_135 = vector.broadcast %mul3A_134 : i32 to vector<16xi32>
      %sub3A_136 = arith.subi %get3A_132, %sub3A_135 : vector<16xi32>
      %ge3A_137 = arith.constant 0 : i32
      %ge3A_138 = vector.broadcast %ge3A_137 : i32 to vector<16xi32>
      %ge3A_139 = arith.cmpi sge, %sub3A_136, %ge3A_138 : vector<16xi32>
      %lt3A_140 = arith.constant 131072 : i32
      %lt3A_141 = vector.broadcast %lt3A_140 : i32 to vector<16xi32>
      %lt3A_142 = arith.cmpi slt, %sub3A_136, %lt3A_141 : vector<16xi32>
      %and3A_143 = arith.andi %ge3A_139, %lt3A_142 : vector<16xi1>
      %mul3A_144 = arith.constant 8 : i32
      %mul3A_145 = vector.broadcast %mul3A_144 : i32 to vector<16xi32>
      %mul3A_146 = arith.muli %iota3A, %mul3A_145 : vector<16xi32>
      %add3A_147 = arith.constant 131072 : i32
      %add3A_148 = vector.broadcast %add3A_147 : i32 to vector<16xi32>
      %add3A_149 = arith.addi %add3A_148, %mul3A_146 : vector<16xi32>
      %add3A_150 = arith.constant 3 : i32
      %add3A_151 = vector.broadcast %add3A_150 : i32 to vector<16xi32>
      %add3A_152 = arith.addi %add3A_149, %add3A_151 : vector<16xi32>
      %select_n3A_153 = arith.select %and3A_143, %sub3A_136, %add3A_152 : vector<16xi1>, vector<16xi32>
      %swap3A_154 = arith.constant 48 : index
      %swap3A_155 = tpu.vector_load %arg8[%swap3A_154] {strides = array<i32>} : memref<128xi32, #tpu.memory_space<vmem>>, vector<16xi32>,
      %swap3A_156 = vector.shape_cast %swap3A_155 : vector<16xi32> to vector<16xi32>
      %swap3A_157 = vector.shape_cast %select_n3A_153 : vector<16xi32> to vector<16xi32>
      tpu.vector_store %arg8[%swap3A_154], %swap3A_157 {strides = array<i32>} : memref<128xi32, #tpu.memory_space<vmem>>, vector<16xi32>,
      %get3A_158 = arith.constant 64 : index
      %get3A_159 = tpu.vector_load %arg8[%get3A_158] {strides = array<i32>} : memref<128xi32, #tpu.memory_space<vmem>>, vector<16xi32>,
      %get3A_160 = vector.shape_cast %get3A_159 : vector<16xi32> to vector<16xi32>
      %mul3A_161 = arith.constant 131072 : i32
      %mul3A_162 = arith.muli %arg0, %mul3A_161 : i32
      %sub3A_163 = vector.broadcast %mul3A_162 : i32 to vector<16xi32>
      %sub3A_164 = arith.subi %get3A_160, %sub3A_163 : vector<16xi32>
      %ge3A_165 = arith.constant 0 : i32
      %ge3A_166 = vector.broadcast %ge3A_165 : i32 to vector<16xi32>
      %ge3A_167 = arith.cmpi sge, %sub3A_164, %ge3A_166 : vector<16xi32>
      %lt3A_168 = arith.constant 131072 : i32
      %lt3A_169 = vector.broadcast %lt3A_168 : i32 to vector<16xi32>
      %lt3A_170 = arith.cmpi slt, %sub3A_164, %lt3A_169 : vector<16xi32>
      %and3A_171 = arith.andi %ge3A_167, %lt3A_170 : vector<16xi1>
      %mul3A_172 = arith.constant 8 : i32
      %mul3A_173 = vector.broadcast %mul3A_172 : i32 to vector<16xi32>
      %mul3A_174 = arith.muli %iota3A, %mul3A_173 : vector<16xi32>
      %add3A_175 = arith.constant 131072 : i32
      %add3A_176 = vector.broadcast %add3A_175 : i32 to vector<16xi32>
      %add3A_177 = arith.addi %add3A_176, %mul3A_174 : vector<16xi32>
      %add3A_178 = arith.constant 4 : i32
      %add3A_179 = vector.broadcast %add3A_178 : i32 to vector<16xi32>
      %add3A_180 = arith.addi %add3A_177, %add3A_179 : vector<16xi32>
      %select_n3A_181 = arith.select %and3A_171, %sub3A_164, %add3A_180 : vector<16xi1>, vector<16xi32>
      %swap3A_182 = arith.constant 64 : index
      %swap3A_183 = tpu.vector_load %arg8[%swap3A_182] {strides = array<i32>} : memref<128xi32, #tpu.memory_space<vmem>>, vector<16xi32>,
      %swap3A_184 = vector.shape_cast %swap3A_183 : vector<16xi32> to vector<16xi32>
      %swap3A_185 = vector.shape_cast %select_n3A_181 : vector<16xi32> to vector<16xi32>
      tpu.vector_store %arg8[%swap3A_182], %swap3A_185 {strides = array<i32>} : memref<128xi32, #tpu.memory_space<vmem>>, vector<16xi32>,
      %get3A_186 = arith.constant 80 : index
      %get3A_187 = tpu.vector_load %arg8[%get3A_186] {strides = array<i32>} : memref<128xi32, #tpu.memory_space<vmem>>, vector<16xi32>,
      %get3A_188 = vector.shape_cast %get3A_187 : vector<16xi32> to vector<16xi32>
      %mul3A_189 = arith.constant 131072 : i32
      %mul3A_190 = arith.muli %arg0, %mul3A_189 : i32
      %sub3A_191 = vector.broadcast %mul3A_190 : i32 to vector<16xi32>
      %sub3A_192 = arith.subi %get3A_188, %sub3A_191 : vector<16xi32>
      %ge3A_193 = arith.constant 0 : i32
      %ge3A_194 = vector.broadcast %ge3A_193 : i32 to vector<16xi32>
      %ge3A_195 = arith.cmpi sge, %sub3A_192, %ge3A_194 : vector<16xi32>
      %lt3A_196 = arith.constant 131072 : i32
      %lt3A_197 = vector.broadcast %lt3A_196 : i32 to vector<16xi32>
      %lt3A_198 = arith.cmpi slt, %sub3A_192, %lt3A_197 : vector<16xi32>
      %and3A_199 = arith.andi %ge3A_195, %lt3A_198 : vector<16xi1>
      %mul3A_200 = arith.constant 8 : i32
      %mul3A_201 = vector.broadcast %mul3A_200 : i32 to vector<16xi32>
      %mul3A_202 = arith.muli %iota3A, %mul3A_201 : vector<16xi32>
      %add3A_203 = arith.constant 131072 : i32
      %add3A_204 = vector.broadcast %add3A_203 : i32 to vector<16xi32>
      %add3A_205 = arith.addi %add3A_204, %mul3A_202 : vector<16xi32>
      %add3A_206 = arith.constant 5 : i32
      %add3A_207 = vector.broadcast %add3A_206 : i32 to vector<16xi32>
      %add3A_208 = arith.addi %add3A_205, %add3A_207 : vector<16xi32>
      %select_n3A_209 = arith.select %and3A_199, %sub3A_192, %add3A_208 : vector<16xi1>, vector<16xi32>
      %swap3A_210 = arith.constant 80 : index
      %swap3A_211 = tpu.vector_load %arg8[%swap3A_210] {strides = array<i32>} : memref<128xi32, #tpu.memory_space<vmem>>, vector<16xi32>,
      %swap3A_212 = vector.shape_cast %swap3A_211 : vector<16xi32> to vector<16xi32>
      %swap3A_213 = vector.shape_cast %select_n3A_209 : vector<16xi32> to vector<16xi32>
      tpu.vector_store %arg8[%swap3A_210], %swap3A_213 {strides = array<i32>} : memref<128xi32, #tpu.memory_space<vmem>>, vector<16xi32>,
      %get3A_214 = arith.constant 96 : index
      %get3A_215 = tpu.vector_load %arg8[%get3A_214] {strides = array<i32>} : memref<128xi32, #tpu.memory_space<vmem>>, vector<16xi32>,
      %get3A_216 = vector.shape_cast %get3A_215 : vector<16xi32> to vector<16xi32>
      %mul3A_217 = arith.constant 131072 : i32
      %mul3A_218 = arith.muli %arg0, %mul3A_217 : i32
      %sub3A_219 = vector.broadcast %mul3A_218 : i32 to vector<16xi32>
      %sub3A_220 = arith.subi %get3A_216, %sub3A_219 : vector<16xi32>
      %ge3A_221 = arith.constant 0 : i32
      %ge3A_222 = vector.broadcast %ge3A_221 : i32 to vector<16xi32>
      %ge3A_223 = arith.cmpi sge, %sub3A_220, %ge3A_222 : vector<16xi32>
      %lt3A_224 = arith.constant 131072 : i32
      %lt3A_225 = vector.broadcast %lt3A_224 : i32 to vector<16xi32>
      %lt3A_226 = arith.cmpi slt, %sub3A_220, %lt3A_225 : vector<16xi32>
      %and3A_227 = arith.andi %ge3A_223, %lt3A_226 : vector<16xi1>
      %mul3A_228 = arith.constant 8 : i32
      %mul3A_229 = vector.broadcast %mul3A_228 : i32 to vector<16xi32>
      %mul3A_230 = arith.muli %iota3A, %mul3A_229 : vector<16xi32>
      %add3A_231 = arith.constant 131072 : i32
      %add3A_232 = vector.broadcast %add3A_231 : i32 to vector<16xi32>
      %add3A_233 = arith.addi %add3A_232, %mul3A_230 : vector<16xi32>
      %add3A_234 = arith.constant 6 : i32
      %add3A_235 = vector.broadcast %add3A_234 : i32 to vector<16xi32>
      %add3A_236 = arith.addi %add3A_233, %add3A_235 : vector<16xi32>
      %select_n3A_237 = arith.select %and3A_227, %sub3A_220, %add3A_236 : vector<16xi1>, vector<16xi32>
      %swap3A_238 = arith.constant 96 : index
      %swap3A_239 = tpu.vector_load %arg8[%swap3A_238] {strides = array<i32>} : memref<128xi32, #tpu.memory_space<vmem>>, vector<16xi32>,
      %swap3A_240 = vector.shape_cast %swap3A_239 : vector<16xi32> to vector<16xi32>
      %swap3A_241 = vector.shape_cast %select_n3A_237 : vector<16xi32> to vector<16xi32>
      tpu.vector_store %arg8[%swap3A_238], %swap3A_241 {strides = array<i32>} : memref<128xi32, #tpu.memory_space<vmem>>, vector<16xi32>,
      %get3A_242 = arith.constant 112 : index
      %get3A_243 = tpu.vector_load %arg8[%get3A_242] {strides = array<i32>} : memref<128xi32, #tpu.memory_space<vmem>>, vector<16xi32>,
      %get3A_244 = vector.shape_cast %get3A_243 : vector<16xi32> to vector<16xi32>
      %mul3A_245 = arith.constant 131072 : i32
      %mul3A_246 = arith.muli %arg0, %mul3A_245 : i32
      %sub3A_247 = vector.broadcast %mul3A_246 : i32 to vector<16xi32>
      %sub3A_248 = arith.subi %get3A_244, %sub3A_247 : vector<16xi32>
      %ge3A_249 = arith.constant 0 : i32
      %ge3A_250 = vector.broadcast %ge3A_249 : i32 to vector<16xi32>
      %ge3A_251 = arith.cmpi sge, %sub3A_248, %ge3A_250 : vector<16xi32>
      %lt3A_252 = arith.constant 131072 : i32
      %lt3A_253 = vector.broadcast %lt3A_252 : i32 to vector<16xi32>
      %lt3A_254 = arith.cmpi slt, %sub3A_248, %lt3A_253 : vector<16xi32>
      %and3A_255 = arith.andi %ge3A_251, %lt3A_254 : vector<16xi1>
      %mul3A_256 = arith.constant 8 : i32
      %mul3A_257 = vector.broadcast %mul3A_256 : i32 to vector<16xi32>
      %mul3A_258 = arith.muli %iota3A, %mul3A_257 : vector<16xi32>
      %add3A_259 = arith.constant 131072 : i32
      %add3A_260 = vector.broadcast %add3A_259 : i32 to vector<16xi32>
      %add3A_261 = arith.addi %add3A_260, %mul3A_258 : vector<16xi32>
      %add3A_262 = arith.constant 7 : i32
      %add3A_263 = vector.broadcast %add3A_262 : i32 to vector<16xi32>
      %add3A_264 = arith.addi %add3A_261, %add3A_263 : vector<16xi32>
      %select_n3A_265 = arith.select %and3A_255, %sub3A_248, %add3A_264 : vector<16xi1>, vector<16xi32>
      %swap3A_266 = arith.constant 112 : index
      %swap3A_267 = tpu.vector_load %arg8[%swap3A_266] {strides = array<i32>} : memref<128xi32, #tpu.memory_space<vmem>>, vector<16xi32>,
      %swap3A_268 = vector.shape_cast %swap3A_267 : vector<16xi32> to vector<16xi32>
      %swap3A_269 = vector.shape_cast %select_n3A_265 : vector<16xi32> to vector<16xi32>
      tpu.vector_store %arg8[%swap3A_266], %swap3A_269 {strides = array<i32>} : memref<128xi32, #tpu.memory_space<vmem>>, vector<16xi32>,
      %get3A_270 = arith.constant 0 : index
      %get3A_271 = tpu.vector_load %arg8[%get3A_270] {strides = array<i32>} : memref<128xi32, #tpu.memory_space<vmem>>, vector<16xi32>,
      %get3A_272 = vector.shape_cast %get3A_271 : vector<16xi32> to vector<16xi32>
      %add3A_273 = arith.constant 0 : i32
      %add3A_274 = vector.broadcast %add3A_273 : i32 to vector<16xi32>
      %add3A_275 = arith.addi %get3A_272, %add3A_274 : vector<16xi32>
      %swap3A_276 = arith.constant 0 : index
      %swap3A_277 = tpu.vector_load %arg9[%swap3A_276] {strides = array<i32>} : memref<128xi32, #tpu.memory_space<vmem>>, vector<16xi32>,
      %swap3A_278 = vector.shape_cast %swap3A_277 : vector<16xi32> to vector<16xi32>
      %swap3A_279 = vector.shape_cast %add3A_275 : vector<16xi32> to vector<16xi32>
      tpu.vector_store %arg9[%swap3A_276], %swap3A_279 {strides = array<i32>} : memref<128xi32, #tpu.memory_space<vmem>>, vector<16xi32>,
      %get3A_280 = arith.constant 16 : index
      %get3A_281 = tpu.vector_load %arg8[%get3A_280] {strides = array<i32>} : memref<128xi32, #tpu.memory_space<vmem>>, vector<16xi32>,
      %get3A_282 = vector.shape_cast %get3A_281 : vector<16xi32> to vector<16xi32>
      %add3A_283 = arith.constant 0 : i32
      %add3A_284 = vector.broadcast %add3A_283 : i32 to vector<16xi32>
      %add3A_285 = arith.addi %get3A_282, %add3A_284 : vector<16xi32>
      %swap3A_286 = arith.constant 16 : index
      %swap3A_287 = tpu.vector_load %arg9[%swap3A_286] {strides = array<i32>} : memref<128xi32, #tpu.memory_space<vmem>>, vector<16xi32>,
      %swap3A_288 = vector.shape_cast %swap3A_287 : vector<16xi32> to vector<16xi32>
      %swap3A_289 = vector.shape_cast %add3A_285 : vector<16xi32> to vector<16xi32>
      tpu.vector_store %arg9[%swap3A_286], %swap3A_289 {strides = array<i32>} : memref<128xi32, #tpu.memory_space<vmem>>, vector<16xi32>,
      %get3A_290 = arith.constant 32 : index
      %get3A_291 = tpu.vector_load %arg8[%get3A_290] {strides = array<i32>} : memref<128xi32, #tpu.memory_space<vmem>>, vector<16xi32>,
      %get3A_292 = vector.shape_cast %get3A_291 : vector<16xi32> to vector<16xi32>
      %add3A_293 = arith.constant 0 : i32
      %add3A_294 = vector.broadcast %add3A_293 : i32 to vector<16xi32>
      %add3A_295 = arith.addi %get3A_292, %add3A_294 : vector<16xi32>
      %swap3A_296 = arith.constant 32 : index
      %swap3A_297 = tpu.vector_load %arg9[%swap3A_296] {strides = array<i32>} : memref<128xi32, #tpu.memory_space<vmem>>, vector<16xi32>,
      %swap3A_298 = vector.shape_cast %swap3A_297 : vector<16xi32> to vector<16xi32>
      %swap3A_299 = vector.shape_cast %add3A_295 : vector<16xi32> to vector<16xi32>
      tpu.vector_store %arg9[%swap3A_296], %swap3A_299 {strides = array<i32>} : memref<128xi32, #tpu.memory_space<vmem>>, vector<16xi32>,
      %get3A_300 = arith.constant 48 : index
      %get3A_301 = tpu.vector_load %arg8[%get3A_300] {strides = array<i32>} : memref<128xi32, #tpu.memory_space<vmem>>, vector<16xi32>,
      %get3A_302 = vector.shape_cast %get3A_301 : vector<16xi32> to vector<16xi32>
      %add3A_303 = arith.constant 0 : i32
      %add3A_304 = vector.broadcast %add3A_303 : i32 to vector<16xi32>
      %add3A_305 = arith.addi %get3A_302, %add3A_304 : vector<16xi32>
      %swap3A_306 = arith.constant 48 : index
      %swap3A_307 = tpu.vector_load %arg9[%swap3A_306] {strides = array<i32>} : memref<128xi32, #tpu.memory_space<vmem>>, vector<16xi32>,
      %swap3A_308 = vector.shape_cast %swap3A_307 : vector<16xi32> to vector<16xi32>
      %swap3A_309 = vector.shape_cast %add3A_305 : vector<16xi32> to vector<16xi32>
      tpu.vector_store %arg9[%swap3A_306], %swap3A_309 {strides = array<i32>} : memref<128xi32, #tpu.memory_space<vmem>>, vector<16xi32>,
      %get3A_310 = arith.constant 64 : index
      %get3A_311 = tpu.vector_load %arg8[%get3A_310] {strides = array<i32>} : memref<128xi32, #tpu.memory_space<vmem>>, vector<16xi32>,
      %get3A_312 = vector.shape_cast %get3A_311 : vector<16xi32> to vector<16xi32>
      %add3A_313 = arith.constant 0 : i32
      %add3A_314 = vector.broadcast %add3A_313 : i32 to vector<16xi32>
      %add3A_315 = arith.addi %get3A_312, %add3A_314 : vector<16xi32>
      %swap3A_316 = arith.constant 64 : index
      %swap3A_317 = tpu.vector_load %arg9[%swap3A_316] {strides = array<i32>} : memref<128xi32, #tpu.memory_space<vmem>>, vector<16xi32>,
      %swap3A_318 = vector.shape_cast %swap3A_317 : vector<16xi32> to vector<16xi32>
      %swap3A_319 = vector.shape_cast %add3A_315 : vector<16xi32> to vector<16xi32>
      tpu.vector_store %arg9[%swap3A_316], %swap3A_319 {strides = array<i32>} : memref<128xi32, #tpu.memory_space<vmem>>, vector<16xi32>,
      %get3A_320 = arith.constant 80 : index
      %get3A_321 = tpu.vector_load %arg8[%get3A_320] {strides = array<i32>} : memref<128xi32, #tpu.memory_space<vmem>>, vector<16xi32>,
      %get3A_322 = vector.shape_cast %get3A_321 : vector<16xi32> to vector<16xi32>
      %add3A_323 = arith.constant 0 : i32
      %add3A_324 = vector.broadcast %add3A_323 : i32 to vector<16xi32>
      %add3A_325 = arith.addi %get3A_322, %add3A_324 : vector<16xi32>
      %swap3A_326 = arith.constant 80 : index
      %swap3A_327 = tpu.vector_load %arg9[%swap3A_326] {strides = array<i32>} : memref<128xi32, #tpu.memory_space<vmem>>, vector<16xi32>,
      %swap3A_328 = vector.shape_cast %swap3A_327 : vector<16xi32> to vector<16xi32>
      %swap3A_329 = vector.shape_cast %add3A_325 : vector<16xi32> to vector<16xi32>
      tpu.vector_store %arg9[%swap3A_326], %swap3A_329 {strides = array<i32>} : memref<128xi32, #tpu.memory_space<vmem>>, vector<16xi32>,
      %get3A_330 = arith.constant 96 : index
      %get3A_331 = tpu.vector_load %arg8[%get3A_330] {strides = array<i32>} : memref<128xi32, #tpu.memory_space<vmem>>, vector<16xi32>,
      %get3A_332 = vector.shape_cast %get3A_331 : vector<16xi32> to vector<16xi32>
      %add3A_333 = arith.constant 0 : i32
      %add3A_334 = vector.broadcast %add3A_333 : i32 to vector<16xi32>
      %add3A_335 = arith.addi %get3A_332, %add3A_334 : vector<16xi32>
      %swap3A_336 = arith.constant 96 : index
      %swap3A_337 = tpu.vector_load %arg9[%swap3A_336] {strides = array<i32>} : memref<128xi32, #tpu.memory_space<vmem>>, vector<16xi32>,
      %swap3A_338 = vector.shape_cast %swap3A_337 : vector<16xi32> to vector<16xi32>
      %swap3A_339 = vector.shape_cast %add3A_335 : vector<16xi32> to vector<16xi32>
      tpu.vector_store %arg9[%swap3A_336], %swap3A_339 {strides = array<i32>} : memref<128xi32, #tpu.memory_space<vmem>>, vector<16xi32>,
      %get3A_340 = arith.constant 112 : index
      %get3A_341 = tpu.vector_load %arg8[%get3A_340] {strides = array<i32>} : memref<128xi32, #tpu.memory_space<vmem>>, vector<16xi32>,
      %get3A_342 = vector.shape_cast %get3A_341 : vector<16xi32> to vector<16xi32>
      %add3A_343 = arith.constant 0 : i32
      %add3A_344 = vector.broadcast %add3A_343 : i32 to vector<16xi32>
      %add3A_345 = arith.addi %get3A_342, %add3A_344 : vector<16xi32>
      %swap3A_346 = arith.constant 112 : index
      %swap3A_347 = tpu.vector_load %arg9[%swap3A_346] {strides = array<i32>} : memref<128xi32, #tpu.memory_space<vmem>>, vector<16xi32>,
      %swap3A_348 = vector.shape_cast %swap3A_347 : vector<16xi32> to vector<16xi32>
      %swap3A_349 = vector.shape_cast %add3A_345 : vector<16xi32> to vector<16xi32>
      tpu.vector_store %arg9[%swap3A_346], %swap3A_349 {strides = array<i32>} : memref<128xi32, #tpu.memory_space<vmem>>, vector<16xi32>,
      "tpu.region"() ({
        %run_scoped3A = tpu.sem_alloc : memref<!tpu.dma_semaphore, #tpu.memory_space<semaphore_mem>>
        %dma_start3A = tpu.memref_slice %arg3[%add3A_51] : memref<204800xf32, #tpu.memory_space<hbm>> -> memref<128xf32, #tpu.memory_space<hbm>>
        %dma_start3A_590 = tpu.memref_slice %arg3[%add3A_51] : memref<204800xf32, #tpu.memory_space<hbm>> -> memref<128xf32, #tpu.memory_space<hbm>>
        tpu.enqueue_dma source(%dma_start3A_590 : memref<128xf32, #tpu.memory_space<hbm>>) target(%arg10 : memref<128xf32, #tpu.memory_space<vmem>>) target_semaphore(%run_scoped3A : memref<!tpu.dma_semaphore, #tpu.memory_space<semaphore_mem>>)
        %dma_wait3A = tpu.memref_slice %arg3[%add3A_51] : memref<204800xf32, #tpu.memory_space<hbm>> -> memref<128xf32, #tpu.memory_space<hbm>>
        %dma_wait3A_591 = tpu.memref_slice %arg3[%add3A_51] : memref<204800xf32, #tpu.memory_space<hbm>> -> memref<128xf32, #tpu.memory_space<hbm>>
        tpu.wait_dma2 semaphore(%run_scoped3A : memref<!tpu.dma_semaphore, #tpu.memory_space<semaphore_mem>>) src(%dma_wait3A_591 : memref<128xf32, #tpu.memory_space<hbm>>) dst(%arg10 : memref<128xf32, #tpu.memory_space<vmem>>)
        tpu.yield
      }) : () -> ()
      "tpu.region"() ({
        %run_scoped3A = tpu.sem_alloc : memref<!tpu.dma_semaphore, #tpu.memory_space<semaphore_mem>>
        %dma_start3A = arith.constant 0 : i32
        %dma_start3A_590 = tpu.memref_slice %arg12[%dma_start3A] : memref<525056xf32, #tpu.memory_space<vmem_shared>> -> memref<525056xf32, #tpu.memory_space<vmem_shared>>
        tpu.enqueue_indirect_dma source(%arg10 : memref<128xf32, #tpu.memory_space<vmem>>) target(%dma_start3A_590 : memref<525056xf32, #tpu.memory_space<vmem_shared>>) offsets(%arg9 : memref<128xi32, #tpu.memory_space<vmem>>) semaphore(%run_scoped3A : memref<!tpu.dma_semaphore, #tpu.memory_space<semaphore_mem>>) {add = true}
        %dma_wait3A = arith.constant 0 : i32
        %dma_wait3A_591 = tpu.memref_slice %arg12[%dma_wait3A] : memref<525056xf32, #tpu.memory_space<vmem_shared>> -> memref<525056xf32, #tpu.memory_space<vmem_shared>>
        tpu.wait_indirect_dma semaphore(%run_scoped3A : memref<!tpu.dma_semaphore, #tpu.memory_space<semaphore_mem>>) src(%arg10 : memref<128xf32, #tpu.memory_space<vmem>>) dst(%dma_wait3A_591 : memref<525056xf32, #tpu.memory_space<vmem_shared>>)
        tpu.yield
      }) : () -> ()
      %get3A_350 = arith.constant 0 : index
      %get3A_351 = tpu.vector_load %arg8[%get3A_350] {strides = array<i32>} : memref<128xi32, #tpu.memory_space<vmem>>, vector<16xi32>,
      %get3A_352 = vector.shape_cast %get3A_351 : vector<16xi32> to vector<16xi32>
      %add3A_353 = arith.constant 131264 : i32
      %add3A_354 = vector.broadcast %add3A_353 : i32 to vector<16xi32>
      %add3A_355 = arith.addi %get3A_352, %add3A_354 : vector<16xi32>
      %swap3A_356 = arith.constant 0 : index
      %swap3A_357 = tpu.vector_load %arg9[%swap3A_356] {strides = array<i32>} : memref<128xi32, #tpu.memory_space<vmem>>, vector<16xi32>,
      %swap3A_358 = vector.shape_cast %swap3A_357 : vector<16xi32> to vector<16xi32>
      %swap3A_359 = vector.shape_cast %add3A_355 : vector<16xi32> to vector<16xi32>
      tpu.vector_store %arg9[%swap3A_356], %swap3A_359 {strides = array<i32>} : memref<128xi32, #tpu.memory_space<vmem>>, vector<16xi32>,
      %get3A_360 = arith.constant 16 : index
      %get3A_361 = tpu.vector_load %arg8[%get3A_360] {strides = array<i32>} : memref<128xi32, #tpu.memory_space<vmem>>, vector<16xi32>,
      %get3A_362 = vector.shape_cast %get3A_361 : vector<16xi32> to vector<16xi32>
      %add3A_363 = arith.constant 131264 : i32
      %add3A_364 = vector.broadcast %add3A_363 : i32 to vector<16xi32>
      %add3A_365 = arith.addi %get3A_362, %add3A_364 : vector<16xi32>
      %swap3A_366 = arith.constant 16 : index
      %swap3A_367 = tpu.vector_load %arg9[%swap3A_366] {strides = array<i32>} : memref<128xi32, #tpu.memory_space<vmem>>, vector<16xi32>,
      %swap3A_368 = vector.shape_cast %swap3A_367 : vector<16xi32> to vector<16xi32>
      %swap3A_369 = vector.shape_cast %add3A_365 : vector<16xi32> to vector<16xi32>
      tpu.vector_store %arg9[%swap3A_366], %swap3A_369 {strides = array<i32>} : memref<128xi32, #tpu.memory_space<vmem>>, vector<16xi32>,
      %get3A_370 = arith.constant 32 : index
      %get3A_371 = tpu.vector_load %arg8[%get3A_370] {strides = array<i32>} : memref<128xi32, #tpu.memory_space<vmem>>, vector<16xi32>,
      %get3A_372 = vector.shape_cast %get3A_371 : vector<16xi32> to vector<16xi32>
      %add3A_373 = arith.constant 131264 : i32
      %add3A_374 = vector.broadcast %add3A_373 : i32 to vector<16xi32>
      %add3A_375 = arith.addi %get3A_372, %add3A_374 : vector<16xi32>
      %swap3A_376 = arith.constant 32 : index
      %swap3A_377 = tpu.vector_load %arg9[%swap3A_376] {strides = array<i32>} : memref<128xi32, #tpu.memory_space<vmem>>, vector<16xi32>,
      %swap3A_378 = vector.shape_cast %swap3A_377 : vector<16xi32> to vector<16xi32>
      %swap3A_379 = vector.shape_cast %add3A_375 : vector<16xi32> to vector<16xi32>
      tpu.vector_store %arg9[%swap3A_376], %swap3A_379 {strides = array<i32>} : memref<128xi32, #tpu.memory_space<vmem>>, vector<16xi32>,
      %get3A_380 = arith.constant 48 : index
      %get3A_381 = tpu.vector_load %arg8[%get3A_380] {strides = array<i32>} : memref<128xi32, #tpu.memory_space<vmem>>, vector<16xi32>,
      %get3A_382 = vector.shape_cast %get3A_381 : vector<16xi32> to vector<16xi32>
      %add3A_383 = arith.constant 131264 : i32
      %add3A_384 = vector.broadcast %add3A_383 : i32 to vector<16xi32>
      %add3A_385 = arith.addi %get3A_382, %add3A_384 : vector<16xi32>
      %swap3A_386 = arith.constant 48 : index
      %swap3A_387 = tpu.vector_load %arg9[%swap3A_386] {strides = array<i32>} : memref<128xi32, #tpu.memory_space<vmem>>, vector<16xi32>,
      %swap3A_388 = vector.shape_cast %swap3A_387 : vector<16xi32> to vector<16xi32>
      %swap3A_389 = vector.shape_cast %add3A_385 : vector<16xi32> to vector<16xi32>
      tpu.vector_store %arg9[%swap3A_386], %swap3A_389 {strides = array<i32>} : memref<128xi32, #tpu.memory_space<vmem>>, vector<16xi32>,
      %get3A_390 = arith.constant 64 : index
      %get3A_391 = tpu.vector_load %arg8[%get3A_390] {strides = array<i32>} : memref<128xi32, #tpu.memory_space<vmem>>, vector<16xi32>,
      %get3A_392 = vector.shape_cast %get3A_391 : vector<16xi32> to vector<16xi32>
      %add3A_393 = arith.constant 131264 : i32
      %add3A_394 = vector.broadcast %add3A_393 : i32 to vector<16xi32>
      %add3A_395 = arith.addi %get3A_392, %add3A_394 : vector<16xi32>
      %swap3A_396 = arith.constant 64 : index
      %swap3A_397 = tpu.vector_load %arg9[%swap3A_396] {strides = array<i32>} : memref<128xi32, #tpu.memory_space<vmem>>, vector<16xi32>,
      %swap3A_398 = vector.shape_cast %swap3A_397 : vector<16xi32> to vector<16xi32>
      %swap3A_399 = vector.shape_cast %add3A_395 : vector<16xi32> to vector<16xi32>
      tpu.vector_store %arg9[%swap3A_396], %swap3A_399 {strides = array<i32>} : memref<128xi32, #tpu.memory_space<vmem>>, vector<16xi32>,
      %get3A_400 = arith.constant 80 : index
      %get3A_401 = tpu.vector_load %arg8[%get3A_400] {strides = array<i32>} : memref<128xi32, #tpu.memory_space<vmem>>, vector<16xi32>,
      %get3A_402 = vector.shape_cast %get3A_401 : vector<16xi32> to vector<16xi32>
      %add3A_403 = arith.constant 131264 : i32
      %add3A_404 = vector.broadcast %add3A_403 : i32 to vector<16xi32>
      %add3A_405 = arith.addi %get3A_402, %add3A_404 : vector<16xi32>
      %swap3A_406 = arith.constant 80 : index
      %swap3A_407 = tpu.vector_load %arg9[%swap3A_406] {strides = array<i32>} : memref<128xi32, #tpu.memory_space<vmem>>, vector<16xi32>,
      %swap3A_408 = vector.shape_cast %swap3A_407 : vector<16xi32> to vector<16xi32>
      %swap3A_409 = vector.shape_cast %add3A_405 : vector<16xi32> to vector<16xi32>
      tpu.vector_store %arg9[%swap3A_406], %swap3A_409 {strides = array<i32>} : memref<128xi32, #tpu.memory_space<vmem>>, vector<16xi32>,
      %get3A_410 = arith.constant 96 : index
      %get3A_411 = tpu.vector_load %arg8[%get3A_410] {strides = array<i32>} : memref<128xi32, #tpu.memory_space<vmem>>, vector<16xi32>,
      %get3A_412 = vector.shape_cast %get3A_411 : vector<16xi32> to vector<16xi32>
      %add3A_413 = arith.constant 131264 : i32
      %add3A_414 = vector.broadcast %add3A_413 : i32 to vector<16xi32>
      %add3A_415 = arith.addi %get3A_412, %add3A_414 : vector<16xi32>
      %swap3A_416 = arith.constant 96 : index
      %swap3A_417 = tpu.vector_load %arg9[%swap3A_416] {strides = array<i32>} : memref<128xi32, #tpu.memory_space<vmem>>, vector<16xi32>,
      %swap3A_418 = vector.shape_cast %swap3A_417 : vector<16xi32> to vector<16xi32>
      %swap3A_419 = vector.shape_cast %add3A_415 : vector<16xi32> to vector<16xi32>
      tpu.vector_store %arg9[%swap3A_416], %swap3A_419 {strides = array<i32>} : memref<128xi32, #tpu.memory_space<vmem>>, vector<16xi32>,
      %get3A_420 = arith.constant 112 : index
      %get3A_421 = tpu.vector_load %arg8[%get3A_420] {strides = array<i32>} : memref<128xi32, #tpu.memory_space<vmem>>, vector<16xi32>,
      %get3A_422 = vector.shape_cast %get3A_421 : vector<16xi32> to vector<16xi32>
      %add3A_423 = arith.constant 131264 : i32
      %add3A_424 = vector.broadcast %add3A_423 : i32 to vector<16xi32>
      %add3A_425 = arith.addi %get3A_422, %add3A_424 : vector<16xi32>
      %swap3A_426 = arith.constant 112 : index
      %swap3A_427 = tpu.vector_load %arg9[%swap3A_426] {strides = array<i32>} : memref<128xi32, #tpu.memory_space<vmem>>, vector<16xi32>,
      %swap3A_428 = vector.shape_cast %swap3A_427 : vector<16xi32> to vector<16xi32>
      %swap3A_429 = vector.shape_cast %add3A_425 : vector<16xi32> to vector<16xi32>
      tpu.vector_store %arg9[%swap3A_426], %swap3A_429 {strides = array<i32>} : memref<128xi32, #tpu.memory_space<vmem>>, vector<16xi32>,
      "tpu.region"() ({
        %run_scoped3A = tpu.sem_alloc : memref<!tpu.dma_semaphore, #tpu.memory_space<semaphore_mem>>
        %dma_start3A = tpu.memref_slice %arg4[%add3A_51] : memref<204800xf32, #tpu.memory_space<hbm>> -> memref<128xf32, #tpu.memory_space<hbm>>
        %dma_start3A_590 = tpu.memref_slice %arg4[%add3A_51] : memref<204800xf32, #tpu.memory_space<hbm>> -> memref<128xf32, #tpu.memory_space<hbm>>
        tpu.enqueue_dma source(%dma_start3A_590 : memref<128xf32, #tpu.memory_space<hbm>>) target(%arg10 : memref<128xf32, #tpu.memory_space<vmem>>) target_semaphore(%run_scoped3A : memref<!tpu.dma_semaphore, #tpu.memory_space<semaphore_mem>>)
        %dma_wait3A = tpu.memref_slice %arg4[%add3A_51] : memref<204800xf32, #tpu.memory_space<hbm>> -> memref<128xf32, #tpu.memory_space<hbm>>
        %dma_wait3A_591 = tpu.memref_slice %arg4[%add3A_51] : memref<204800xf32, #tpu.memory_space<hbm>> -> memref<128xf32, #tpu.memory_space<hbm>>
        tpu.wait_dma2 semaphore(%run_scoped3A : memref<!tpu.dma_semaphore, #tpu.memory_space<semaphore_mem>>) src(%dma_wait3A_591 : memref<128xf32, #tpu.memory_space<hbm>>) dst(%arg10 : memref<128xf32, #tpu.memory_space<vmem>>)
        tpu.yield
      }) : () -> ()
      "tpu.region"() ({
        %run_scoped3A = tpu.sem_alloc : memref<!tpu.dma_semaphore, #tpu.memory_space<semaphore_mem>>
        %dma_start3A = arith.constant 0 : i32
        %dma_start3A_590 = tpu.memref_slice %arg12[%dma_start3A] : memref<525056xf32, #tpu.memory_space<vmem_shared>> -> memref<525056xf32, #tpu.memory_space<vmem_shared>>
        tpu.enqueue_indirect_dma source(%arg10 : memref<128xf32, #tpu.memory_space<vmem>>) target(%dma_start3A_590 : memref<525056xf32, #tpu.memory_space<vmem_shared>>) offsets(%arg9 : memref<128xi32, #tpu.memory_space<vmem>>) semaphore(%run_scoped3A : memref<!tpu.dma_semaphore, #tpu.memory_space<semaphore_mem>>) {add = true}
        %dma_wait3A = arith.constant 0 : i32
        %dma_wait3A_591 = tpu.memref_slice %arg12[%dma_wait3A] : memref<525056xf32, #tpu.memory_space<vmem_shared>> -> memref<525056xf32, #tpu.memory_space<vmem_shared>>
        tpu.wait_indirect_dma semaphore(%run_scoped3A : memref<!tpu.dma_semaphore, #tpu.memory_space<semaphore_mem>>) src(%arg10 : memref<128xf32, #tpu.memory_space<vmem>>) dst(%dma_wait3A_591 : memref<525056xf32, #tpu.memory_space<vmem_shared>>)
        tpu.yield
      }) : () -> ()
      %get3A_430 = arith.constant 0 : index
      %get3A_431 = tpu.vector_load %arg8[%get3A_430] {strides = array<i32>} : memref<128xi32, #tpu.memory_space<vmem>>, vector<16xi32>,
      %get3A_432 = vector.shape_cast %get3A_431 : vector<16xi32> to vector<16xi32>
      %add3A_433 = arith.constant 262528 : i32
      %add3A_434 = vector.broadcast %add3A_433 : i32 to vector<16xi32>
      %add3A_435 = arith.addi %get3A_432, %add3A_434 : vector<16xi32>
      %swap3A_436 = arith.constant 0 : index
      %swap3A_437 = tpu.vector_load %arg9[%swap3A_436] {strides = array<i32>} : memref<128xi32, #tpu.memory_space<vmem>>, vector<16xi32>,
      %swap3A_438 = vector.shape_cast %swap3A_437 : vector<16xi32> to vector<16xi32>
      %swap3A_439 = vector.shape_cast %add3A_435 : vector<16xi32> to vector<16xi32>
      tpu.vector_store %arg9[%swap3A_436], %swap3A_439 {strides = array<i32>} : memref<128xi32, #tpu.memory_space<vmem>>, vector<16xi32>,
      %get3A_440 = arith.constant 16 : index
      %get3A_441 = tpu.vector_load %arg8[%get3A_440] {strides = array<i32>} : memref<128xi32, #tpu.memory_space<vmem>>, vector<16xi32>,
      %get3A_442 = vector.shape_cast %get3A_441 : vector<16xi32> to vector<16xi32>
      %add3A_443 = arith.constant 262528 : i32
      %add3A_444 = vector.broadcast %add3A_443 : i32 to vector<16xi32>
      %add3A_445 = arith.addi %get3A_442, %add3A_444 : vector<16xi32>
      %swap3A_446 = arith.constant 16 : index
      %swap3A_447 = tpu.vector_load %arg9[%swap3A_446] {strides = array<i32>} : memref<128xi32, #tpu.memory_space<vmem>>, vector<16xi32>,
      %swap3A_448 = vector.shape_cast %swap3A_447 : vector<16xi32> to vector<16xi32>
      %swap3A_449 = vector.shape_cast %add3A_445 : vector<16xi32> to vector<16xi32>
      tpu.vector_store %arg9[%swap3A_446], %swap3A_449 {strides = array<i32>} : memref<128xi32, #tpu.memory_space<vmem>>, vector<16xi32>,
      %get3A_450 = arith.constant 32 : index
      %get3A_451 = tpu.vector_load %arg8[%get3A_450] {strides = array<i32>} : memref<128xi32, #tpu.memory_space<vmem>>, vector<16xi32>,
      %get3A_452 = vector.shape_cast %get3A_451 : vector<16xi32> to vector<16xi32>
      %add3A_453 = arith.constant 262528 : i32
      %add3A_454 = vector.broadcast %add3A_453 : i32 to vector<16xi32>
      %add3A_455 = arith.addi %get3A_452, %add3A_454 : vector<16xi32>
      %swap3A_456 = arith.constant 32 : index
      %swap3A_457 = tpu.vector_load %arg9[%swap3A_456] {strides = array<i32>} : memref<128xi32, #tpu.memory_space<vmem>>, vector<16xi32>,
      %swap3A_458 = vector.shape_cast %swap3A_457 : vector<16xi32> to vector<16xi32>
      %swap3A_459 = vector.shape_cast %add3A_455 : vector<16xi32> to vector<16xi32>
      tpu.vector_store %arg9[%swap3A_456], %swap3A_459 {strides = array<i32>} : memref<128xi32, #tpu.memory_space<vmem>>, vector<16xi32>,
      %get3A_460 = arith.constant 48 : index
      %get3A_461 = tpu.vector_load %arg8[%get3A_460] {strides = array<i32>} : memref<128xi32, #tpu.memory_space<vmem>>, vector<16xi32>,
      %get3A_462 = vector.shape_cast %get3A_461 : vector<16xi32> to vector<16xi32>
      %add3A_463 = arith.constant 262528 : i32
      %add3A_464 = vector.broadcast %add3A_463 : i32 to vector<16xi32>
      %add3A_465 = arith.addi %get3A_462, %add3A_464 : vector<16xi32>
      %swap3A_466 = arith.constant 48 : index
      %swap3A_467 = tpu.vector_load %arg9[%swap3A_466] {strides = array<i32>} : memref<128xi32, #tpu.memory_space<vmem>>, vector<16xi32>,
      %swap3A_468 = vector.shape_cast %swap3A_467 : vector<16xi32> to vector<16xi32>
      %swap3A_469 = vector.shape_cast %add3A_465 : vector<16xi32> to vector<16xi32>
      tpu.vector_store %arg9[%swap3A_466], %swap3A_469 {strides = array<i32>} : memref<128xi32, #tpu.memory_space<vmem>>, vector<16xi32>,
      %get3A_470 = arith.constant 64 : index
      %get3A_471 = tpu.vector_load %arg8[%get3A_470] {strides = array<i32>} : memref<128xi32, #tpu.memory_space<vmem>>, vector<16xi32>,
      %get3A_472 = vector.shape_cast %get3A_471 : vector<16xi32> to vector<16xi32>
      %add3A_473 = arith.constant 262528 : i32
      %add3A_474 = vector.broadcast %add3A_473 : i32 to vector<16xi32>
      %add3A_475 = arith.addi %get3A_472, %add3A_474 : vector<16xi32>
      %swap3A_476 = arith.constant 64 : index
      %swap3A_477 = tpu.vector_load %arg9[%swap3A_476] {strides = array<i32>} : memref<128xi32, #tpu.memory_space<vmem>>, vector<16xi32>,
      %swap3A_478 = vector.shape_cast %swap3A_477 : vector<16xi32> to vector<16xi32>
      %swap3A_479 = vector.shape_cast %add3A_475 : vector<16xi32> to vector<16xi32>
      tpu.vector_store %arg9[%swap3A_476], %swap3A_479 {strides = array<i32>} : memref<128xi32, #tpu.memory_space<vmem>>, vector<16xi32>,
      %get3A_480 = arith.constant 80 : index
      %get3A_481 = tpu.vector_load %arg8[%get3A_480] {strides = array<i32>} : memref<128xi32, #tpu.memory_space<vmem>>, vector<16xi32>,
      %get3A_482 = vector.shape_cast %get3A_481 : vector<16xi32> to vector<16xi32>
      %add3A_483 = arith.constant 262528 : i32
      %add3A_484 = vector.broadcast %add3A_483 : i32 to vector<16xi32>
      %add3A_485 = arith.addi %get3A_482, %add3A_484 : vector<16xi32>
      %swap3A_486 = arith.constant 80 : index
      %swap3A_487 = tpu.vector_load %arg9[%swap3A_486] {strides = array<i32>} : memref<128xi32, #tpu.memory_space<vmem>>, vector<16xi32>,
      %swap3A_488 = vector.shape_cast %swap3A_487 : vector<16xi32> to vector<16xi32>
      %swap3A_489 = vector.shape_cast %add3A_485 : vector<16xi32> to vector<16xi32>
      tpu.vector_store %arg9[%swap3A_486], %swap3A_489 {strides = array<i32>} : memref<128xi32, #tpu.memory_space<vmem>>, vector<16xi32>,
      %get3A_490 = arith.constant 96 : index
      %get3A_491 = tpu.vector_load %arg8[%get3A_490] {strides = array<i32>} : memref<128xi32, #tpu.memory_space<vmem>>, vector<16xi32>,
      %get3A_492 = vector.shape_cast %get3A_491 : vector<16xi32> to vector<16xi32>
      %add3A_493 = arith.constant 262528 : i32
      %add3A_494 = vector.broadcast %add3A_493 : i32 to vector<16xi32>
      %add3A_495 = arith.addi %get3A_492, %add3A_494 : vector<16xi32>
      %swap3A_496 = arith.constant 96 : index
      %swap3A_497 = tpu.vector_load %arg9[%swap3A_496] {strides = array<i32>} : memref<128xi32, #tpu.memory_space<vmem>>, vector<16xi32>,
      %swap3A_498 = vector.shape_cast %swap3A_497 : vector<16xi32> to vector<16xi32>
      %swap3A_499 = vector.shape_cast %add3A_495 : vector<16xi32> to vector<16xi32>
      tpu.vector_store %arg9[%swap3A_496], %swap3A_499 {strides = array<i32>} : memref<128xi32, #tpu.memory_space<vmem>>, vector<16xi32>,
      %get3A_500 = arith.constant 112 : index
      %get3A_501 = tpu.vector_load %arg8[%get3A_500] {strides = array<i32>} : memref<128xi32, #tpu.memory_space<vmem>>, vector<16xi32>,
      %get3A_502 = vector.shape_cast %get3A_501 : vector<16xi32> to vector<16xi32>
      %add3A_503 = arith.constant 262528 : i32
      %add3A_504 = vector.broadcast %add3A_503 : i32 to vector<16xi32>
      %add3A_505 = arith.addi %get3A_502, %add3A_504 : vector<16xi32>
      %swap3A_506 = arith.constant 112 : index
      %swap3A_507 = tpu.vector_load %arg9[%swap3A_506] {strides = array<i32>} : memref<128xi32, #tpu.memory_space<vmem>>, vector<16xi32>,
      %swap3A_508 = vector.shape_cast %swap3A_507 : vector<16xi32> to vector<16xi32>
      %swap3A_509 = vector.shape_cast %add3A_505 : vector<16xi32> to vector<16xi32>
      tpu.vector_store %arg9[%swap3A_506], %swap3A_509 {strides = array<i32>} : memref<128xi32, #tpu.memory_space<vmem>>, vector<16xi32>,
      "tpu.region"() ({
        %run_scoped3A = tpu.sem_alloc : memref<!tpu.dma_semaphore, #tpu.memory_space<semaphore_mem>>
        %dma_start3A = tpu.memref_slice %arg5[%add3A_51] : memref<204800xf32, #tpu.memory_space<hbm>> -> memref<128xf32, #tpu.memory_space<hbm>>
        %dma_start3A_590 = tpu.memref_slice %arg5[%add3A_51] : memref<204800xf32, #tpu.memory_space<hbm>> -> memref<128xf32, #tpu.memory_space<hbm>>
        tpu.enqueue_dma source(%dma_start3A_590 : memref<128xf32, #tpu.memory_space<hbm>>) target(%arg10 : memref<128xf32, #tpu.memory_space<vmem>>) target_semaphore(%run_scoped3A : memref<!tpu.dma_semaphore, #tpu.memory_space<semaphore_mem>>)
        %dma_wait3A = tpu.memref_slice %arg5[%add3A_51] : memref<204800xf32, #tpu.memory_space<hbm>> -> memref<128xf32, #tpu.memory_space<hbm>>
        %dma_wait3A_591 = tpu.memref_slice %arg5[%add3A_51] : memref<204800xf32, #tpu.memory_space<hbm>> -> memref<128xf32, #tpu.memory_space<hbm>>
        tpu.wait_dma2 semaphore(%run_scoped3A : memref<!tpu.dma_semaphore, #tpu.memory_space<semaphore_mem>>) src(%dma_wait3A_591 : memref<128xf32, #tpu.memory_space<hbm>>) dst(%arg10 : memref<128xf32, #tpu.memory_space<vmem>>)
        tpu.yield
      }) : () -> ()
      "tpu.region"() ({
        %run_scoped3A = tpu.sem_alloc : memref<!tpu.dma_semaphore, #tpu.memory_space<semaphore_mem>>
        %dma_start3A = arith.constant 0 : i32
        %dma_start3A_590 = tpu.memref_slice %arg12[%dma_start3A] : memref<525056xf32, #tpu.memory_space<vmem_shared>> -> memref<525056xf32, #tpu.memory_space<vmem_shared>>
        tpu.enqueue_indirect_dma source(%arg10 : memref<128xf32, #tpu.memory_space<vmem>>) target(%dma_start3A_590 : memref<525056xf32, #tpu.memory_space<vmem_shared>>) offsets(%arg9 : memref<128xi32, #tpu.memory_space<vmem>>) semaphore(%run_scoped3A : memref<!tpu.dma_semaphore, #tpu.memory_space<semaphore_mem>>) {add = true}
        %dma_wait3A = arith.constant 0 : i32
        %dma_wait3A_591 = tpu.memref_slice %arg12[%dma_wait3A] : memref<525056xf32, #tpu.memory_space<vmem_shared>> -> memref<525056xf32, #tpu.memory_space<vmem_shared>>
        tpu.wait_indirect_dma semaphore(%run_scoped3A : memref<!tpu.dma_semaphore, #tpu.memory_space<semaphore_mem>>) src(%arg10 : memref<128xf32, #tpu.memory_space<vmem>>) dst(%dma_wait3A_591 : memref<525056xf32, #tpu.memory_space<vmem_shared>>)
        tpu.yield
      }) : () -> ()
      %get3A_510 = arith.constant 0 : index
      %get3A_511 = tpu.vector_load %arg8[%get3A_510] {strides = array<i32>} : memref<128xi32, #tpu.memory_space<vmem>>, vector<16xi32>,
      %get3A_512 = vector.shape_cast %get3A_511 : vector<16xi32> to vector<16xi32>
      %add3A_513 = arith.constant 393792 : i32
      %add3A_514 = vector.broadcast %add3A_513 : i32 to vector<16xi32>
      %add3A_515 = arith.addi %get3A_512, %add3A_514 : vector<16xi32>
      %swap3A_516 = arith.constant 0 : index
      %swap3A_517 = tpu.vector_load %arg9[%swap3A_516] {strides = array<i32>} : memref<128xi32, #tpu.memory_space<vmem>>, vector<16xi32>,
      %swap3A_518 = vector.shape_cast %swap3A_517 : vector<16xi32> to vector<16xi32>
      %swap3A_519 = vector.shape_cast %add3A_515 : vector<16xi32> to vector<16xi32>
      tpu.vector_store %arg9[%swap3A_516], %swap3A_519 {strides = array<i32>} : memref<128xi32, #tpu.memory_space<vmem>>, vector<16xi32>,
      %get3A_520 = arith.constant 16 : index
      %get3A_521 = tpu.vector_load %arg8[%get3A_520] {strides = array<i32>} : memref<128xi32, #tpu.memory_space<vmem>>, vector<16xi32>,
      %get3A_522 = vector.shape_cast %get3A_521 : vector<16xi32> to vector<16xi32>
      %add3A_523 = arith.constant 393792 : i32
      %add3A_524 = vector.broadcast %add3A_523 : i32 to vector<16xi32>
      %add3A_525 = arith.addi %get3A_522, %add3A_524 : vector<16xi32>
      %swap3A_526 = arith.constant 16 : index
      %swap3A_527 = tpu.vector_load %arg9[%swap3A_526] {strides = array<i32>} : memref<128xi32, #tpu.memory_space<vmem>>, vector<16xi32>,
      %swap3A_528 = vector.shape_cast %swap3A_527 : vector<16xi32> to vector<16xi32>
      %swap3A_529 = vector.shape_cast %add3A_525 : vector<16xi32> to vector<16xi32>
      tpu.vector_store %arg9[%swap3A_526], %swap3A_529 {strides = array<i32>} : memref<128xi32, #tpu.memory_space<vmem>>, vector<16xi32>,
      %get3A_530 = arith.constant 32 : index
      %get3A_531 = tpu.vector_load %arg8[%get3A_530] {strides = array<i32>} : memref<128xi32, #tpu.memory_space<vmem>>, vector<16xi32>,
      %get3A_532 = vector.shape_cast %get3A_531 : vector<16xi32> to vector<16xi32>
      %add3A_533 = arith.constant 393792 : i32
      %add3A_534 = vector.broadcast %add3A_533 : i32 to vector<16xi32>
      %add3A_535 = arith.addi %get3A_532, %add3A_534 : vector<16xi32>
      %swap3A_536 = arith.constant 32 : index
      %swap3A_537 = tpu.vector_load %arg9[%swap3A_536] {strides = array<i32>} : memref<128xi32, #tpu.memory_space<vmem>>, vector<16xi32>,
      %swap3A_538 = vector.shape_cast %swap3A_537 : vector<16xi32> to vector<16xi32>
      %swap3A_539 = vector.shape_cast %add3A_535 : vector<16xi32> to vector<16xi32>
      tpu.vector_store %arg9[%swap3A_536], %swap3A_539 {strides = array<i32>} : memref<128xi32, #tpu.memory_space<vmem>>, vector<16xi32>,
      %get3A_540 = arith.constant 48 : index
      %get3A_541 = tpu.vector_load %arg8[%get3A_540] {strides = array<i32>} : memref<128xi32, #tpu.memory_space<vmem>>, vector<16xi32>,
      %get3A_542 = vector.shape_cast %get3A_541 : vector<16xi32> to vector<16xi32>
      %add3A_543 = arith.constant 393792 : i32
      %add3A_544 = vector.broadcast %add3A_543 : i32 to vector<16xi32>
      %add3A_545 = arith.addi %get3A_542, %add3A_544 : vector<16xi32>
      %swap3A_546 = arith.constant 48 : index
      %swap3A_547 = tpu.vector_load %arg9[%swap3A_546] {strides = array<i32>} : memref<128xi32, #tpu.memory_space<vmem>>, vector<16xi32>,
      %swap3A_548 = vector.shape_cast %swap3A_547 : vector<16xi32> to vector<16xi32>
      %swap3A_549 = vector.shape_cast %add3A_545 : vector<16xi32> to vector<16xi32>
      tpu.vector_store %arg9[%swap3A_546], %swap3A_549 {strides = array<i32>} : memref<128xi32, #tpu.memory_space<vmem>>, vector<16xi32>,
      %get3A_550 = arith.constant 64 : index
      %get3A_551 = tpu.vector_load %arg8[%get3A_550] {strides = array<i32>} : memref<128xi32, #tpu.memory_space<vmem>>, vector<16xi32>,
      %get3A_552 = vector.shape_cast %get3A_551 : vector<16xi32> to vector<16xi32>
      %add3A_553 = arith.constant 393792 : i32
      %add3A_554 = vector.broadcast %add3A_553 : i32 to vector<16xi32>
      %add3A_555 = arith.addi %get3A_552, %add3A_554 : vector<16xi32>
      %swap3A_556 = arith.constant 64 : index
      %swap3A_557 = tpu.vector_load %arg9[%swap3A_556] {strides = array<i32>} : memref<128xi32, #tpu.memory_space<vmem>>, vector<16xi32>,
      %swap3A_558 = vector.shape_cast %swap3A_557 : vector<16xi32> to vector<16xi32>
      %swap3A_559 = vector.shape_cast %add3A_555 : vector<16xi32> to vector<16xi32>
      tpu.vector_store %arg9[%swap3A_556], %swap3A_559 {strides = array<i32>} : memref<128xi32, #tpu.memory_space<vmem>>, vector<16xi32>,
      %get3A_560 = arith.constant 80 : index
      %get3A_561 = tpu.vector_load %arg8[%get3A_560] {strides = array<i32>} : memref<128xi32, #tpu.memory_space<vmem>>, vector<16xi32>,
      %get3A_562 = vector.shape_cast %get3A_561 : vector<16xi32> to vector<16xi32>
      %add3A_563 = arith.constant 393792 : i32
      %add3A_564 = vector.broadcast %add3A_563 : i32 to vector<16xi32>
      %add3A_565 = arith.addi %get3A_562, %add3A_564 : vector<16xi32>
      %swap3A_566 = arith.constant 80 : index
      %swap3A_567 = tpu.vector_load %arg9[%swap3A_566] {strides = array<i32>} : memref<128xi32, #tpu.memory_space<vmem>>, vector<16xi32>,
      %swap3A_568 = vector.shape_cast %swap3A_567 : vector<16xi32> to vector<16xi32>
      %swap3A_569 = vector.shape_cast %add3A_565 : vector<16xi32> to vector<16xi32>
      tpu.vector_store %arg9[%swap3A_566], %swap3A_569 {strides = array<i32>} : memref<128xi32, #tpu.memory_space<vmem>>, vector<16xi32>,
      %get3A_570 = arith.constant 96 : index
      %get3A_571 = tpu.vector_load %arg8[%get3A_570] {strides = array<i32>} : memref<128xi32, #tpu.memory_space<vmem>>, vector<16xi32>,
      %get3A_572 = vector.shape_cast %get3A_571 : vector<16xi32> to vector<16xi32>
      %add3A_573 = arith.constant 393792 : i32
      %add3A_574 = vector.broadcast %add3A_573 : i32 to vector<16xi32>
      %add3A_575 = arith.addi %get3A_572, %add3A_574 : vector<16xi32>
      %swap3A_576 = arith.constant 96 : index
      %swap3A_577 = tpu.vector_load %arg9[%swap3A_576] {strides = array<i32>} : memref<128xi32, #tpu.memory_space<vmem>>, vector<16xi32>,
      %swap3A_578 = vector.shape_cast %swap3A_577 : vector<16xi32> to vector<16xi32>
      %swap3A_579 = vector.shape_cast %add3A_575 : vector<16xi32> to vector<16xi32>
      tpu.vector_store %arg9[%swap3A_576], %swap3A_579 {strides = array<i32>} : memref<128xi32, #tpu.memory_space<vmem>>, vector<16xi32>,
      %get3A_580 = arith.constant 112 : index
      %get3A_581 = tpu.vector_load %arg8[%get3A_580] {strides = array<i32>} : memref<128xi32, #tpu.memory_space<vmem>>, vector<16xi32>,
      %get3A_582 = vector.shape_cast %get3A_581 : vector<16xi32> to vector<16xi32>
      %add3A_583 = arith.constant 393792 : i32
      %add3A_584 = vector.broadcast %add3A_583 : i32 to vector<16xi32>
      %add3A_585 = arith.addi %get3A_582, %add3A_584 : vector<16xi32>
      %swap3A_586 = arith.constant 112 : index
      %swap3A_587 = tpu.vector_load %arg9[%swap3A_586] {strides = array<i32>} : memref<128xi32, #tpu.memory_space<vmem>>, vector<16xi32>,
      %swap3A_588 = vector.shape_cast %swap3A_587 : vector<16xi32> to vector<16xi32>
      %swap3A_589 = vector.shape_cast %add3A_585 : vector<16xi32> to vector<16xi32>
      tpu.vector_store %arg9[%swap3A_586], %swap3A_589 {strides = array<i32>} : memref<128xi32, #tpu.memory_space<vmem>>, vector<16xi32>,
      "tpu.region"() ({
        %run_scoped3A = tpu.sem_alloc : memref<!tpu.dma_semaphore, #tpu.memory_space<semaphore_mem>>
        %dma_start3A = arith.constant 0 : i32
        %dma_start3A_590 = tpu.memref_slice %arg12[%dma_start3A] : memref<525056xf32, #tpu.memory_space<vmem_shared>> -> memref<525056xf32, #tpu.memory_space<vmem_shared>>
        tpu.enqueue_indirect_dma source(%arg11 : memref<128xf32, #tpu.memory_space<vmem>>) target(%dma_start3A_590 : memref<525056xf32, #tpu.memory_space<vmem_shared>>) offsets(%arg9 : memref<128xi32, #tpu.memory_space<vmem>>) semaphore(%run_scoped3A : memref<!tpu.dma_semaphore, #tpu.memory_space<semaphore_mem>>) {add = true}
        %dma_wait3A = arith.constant 0 : i32
        %dma_wait3A_591 = tpu.memref_slice %arg12[%dma_wait3A] : memref<525056xf32, #tpu.memory_space<vmem_shared>> -> memref<525056xf32, #tpu.memory_space<vmem_shared>>
        tpu.wait_indirect_dma semaphore(%run_scoped3A : memref<!tpu.dma_semaphore, #tpu.memory_space<semaphore_mem>>) src(%arg11 : memref<128xf32, #tpu.memory_space<vmem>>) dst(%dma_wait3A_591 : memref<525056xf32, #tpu.memory_space<vmem_shared>>)
        tpu.yield
      }) : () -> ()
    }
    %scan3A_41 = arith.constant 100 : i32
    %barrier3A_42 = arith.constant 0 : index
    tpu.barrier barrier_id(%barrier3A_42)
    %eq3A_43 = arith.constant 0 : i32
    %eq3A_44 = arith.cmpi eq, %arg1, %eq3A_43 : i32
    %convert_element_type3A_45 = arith.extui %eq3A_44 : i1 to i32
    %cond3A_46 = arith.constant 0 : i32
    %cond3A_47 = arith.cmpi ne, %convert_element_type3A_45, %cond3A_46 : i32
    scf.if %cond3A_47 {
      %mul3A_48 = arith.constant 525056 : i32
      %mul3A_49 = arith.muli %arg0, %mul3A_48 : i32
      "tpu.region"() ({
        %run_scoped3A = tpu.sem_alloc : memref<!tpu.dma_semaphore, #tpu.memory_space<semaphore_mem>>
        %dma_start3A = tpu.memref_slice %arg7[%mul3A_49] : memref<1050112xf32, #tpu.memory_space<hbm>> -> memref<525056xf32, #tpu.memory_space<hbm>>
        tpu.enqueue_dma source(%arg12 : memref<525056xf32, #tpu.memory_space<vmem_shared>>) target(%dma_start3A : memref<525056xf32, #tpu.memory_space<hbm>>) target_semaphore(%run_scoped3A : memref<!tpu.dma_semaphore, #tpu.memory_space<semaphore_mem>>)
        %dma_wait3A = tpu.memref_slice %arg7[%mul3A_49] : memref<1050112xf32, #tpu.memory_space<hbm>> -> memref<525056xf32, #tpu.memory_space<hbm>>
        tpu.wait_dma2 semaphore(%run_scoped3A : memref<!tpu.dma_semaphore, #tpu.memory_space<semaphore_mem>>) src(%arg12 : memref<525056xf32, #tpu.memory_space<vmem_shared>>) dst(%dma_wait3A : memref<525056xf32, #tpu.memory_space<hbm>>)
        tpu.yield
      }) : () -> ()
    } else {
    }
    return
  }
}

</mosaic_0001>

<sc_bundles>
// kernel: _sc_stats.3.cloned.1.call-start
scs
__scs_entry_jumppad:
0x0: {  	(pc) =	sbr.rel $0x88, $3  }
0x1: {  	(tag) =	ssettag $0x0;
	lr =	simm.s32 $0x1  }
0x2: {  	[smem:$0x3F9C] =	sst lr;
	_ =	strace $0xD0000000  }
0x3: {  	_ = 	snop  }
0x4: {  	_ = 	snop  }
0x5: {  	_ = 	snop  }
0x6: {  	_ = 	snop  }
0x7: {  	_ = 	snop  }
__scs_overlays_trampoline_lowered:
0x8: {  	[smem:$0x3FAB] =	sst s0  }
0x9: {  	[smem:$0x3FAC] =	sst s1  }
0xa: {  	[smem:$0x3FAD] =	sst s2  }
0xb: {  	[smem:$0x3FAE] =	sst s3  }
0xc: {  	[smem:$0x3FAF] =	sst s4  }
0xd: {  	[smem:$0x3FB0] =	sst s5  }
0xe: {  	[smem:$0x3FB1] =	sst s6  }
0xf: {  	[smem:$0x3FB2] =	sst s7  }
0x10: {  	[smem:$0x3FB3] =	sst s8  }
0x11: {  	[smem:$0x3FB4] =	sst s9;
	s0 =	simm.s32 @!p0 $0x0  }
0x12: {  	s1 =	sld [smem:$0x3F9A];
	s0 =	simm.s32 @p0 $0x1  }
0x13: {  	[smem:$0x3FB5] =	sst s0;
	s0 =	simm.s32 @!p1 $0x0  }
0x14: {  	s2 =	sld [smem:$0x3F99];
	s0 =	simm.s32 @p1 $0x1  }
0x15: {  	[smem:$0x3FB6] =	sst s0;
	s0 =	simm.s32 @!p2 $0x0  }
0x16: {  	s3 =	sld [smem:$0x3FDB];
	s0 =	simm.s32 @p2 $0x1  }
0x17: {  	s4 =	simm.s32 $0x1BF5;
	[smem:$0x3FB8] =	sst s0  }
0x18: {  	s0 =	sld [smem:$0x3F9B];
	_ =	swait.ge [sflag:s4], $0x0  }
0x19: {  	s7 =	sld [smem:$0x3F9C]  }
0x1a: {  	s8 =	sadd.s32 $0xFFFFE003, lr  }
0x1b: {  	s9 =	sadd.s32 $0xFFFFFEF7, lr;
	s5 =	simm.s32 $0xFFFFFFFF;
	p2 =	slt.u32 s8, $0xFFFFF086  }
0x1c: {  	p1 =	slt.u32 s9, $0xF7A;
	s5 =	simm.s32 @!p2 $0x0  }
0x1d: {  	s5 =	simm.s32 @p1 $0x1;
	p0 =	seq.s32 s7, s2  }
0x1e: {  	s7 =	smul.u32 @!p0 $0xF7A, s2;
	p2 =	seq.s32 @!p0 s5, $0x0  }
0x1f: {  	s9 =	smul.u32 $0xF7A, s1;
	s8 =	simm.s32 @!p0 $0x1BF5;
	p2 =	por !p2, p0  }
0x20: {  	[sflag:s8] =	ssyncset.s32 @!p0 $0xFFFFF086;
	s6 =	sadd.s32 @!p0 s3, s7;
	s7 =	simm.s32 @!p0 $0x108  }
0x21: {  	s3 =	sadd.s32 s3, s9;
	s6 =	sadd.s32 @!p0 $0x88, s6;
	s7 =	simm.s32 @p2 $0x1082  }
0x22: {  	[simem:s7], [sflag:s8] =	dma.local @!p0 [hbm:s6], $0xF7A  }
0x23: {  	s9 =	sor.u32 $0xD0000000, s2;
	s6 =	simm.s32 $0x108;
	_ =	swait.ge @!p0 [sflag:s8], $0x0  }
0x24: {  	s3 =	sadd.s32 $0x88, s3;
	s6 =	simm.s32 @!p1 $0x1082;
	[sflag:s4] =	ssyncset.s32 $0xFFFFF086  }
0x25: {  	[simem:s6], [sflag:s4] =	dma.local [hbm:s3], $0xF7A  }
0x26: {  	[smem:$0x3F9C] =	sst s1;
	(tag) =	ssettag s2;
	_ =	strace s9  }
0x27: {  	s1 =	sld [smem:$0x3FAC]  }
0x28: {  	s2 =	sld [smem:$0x3FAD]  }
0x29: {  	s4 =	sld [smem:$0x3FAF]  }
0x2a: {  	p0 =	seq.s32 s5, $0x0;
	s5 =	sld [smem:$0x3FB0]  }
0x2b: {  	s6 =	sld [smem:$0x3FB1]  }
0x2c: {  	s7 =	sld [smem:$0x3FB2]  }
0x2d: {  	s3 =	simm.s32 $0x108;
	s8 =	sld [smem:$0x3FB3]  }
0x2e: {  	s3 =	simm.s32 @!p0 $0x1082;
	s9 =	sld [smem:$0x3FB4]  }
0x2f: {  	lr =	sadd.s32 s0, s3;
	s0 =	sld [smem:$0x3FAB]  }
0x30: {  	s3 =	sld [smem:$0x3FAE]  }
0x31: {  	[smem:$0x3FB7] =	sst s10  }
0x32: {  	s10 =	sld [smem:$0x3FB5];
	_ =	sdelay $0x3  }
0x33: {  	p0 =	seq.s32 s10, $0x1;
	s10 =	sld [smem:$0x3FB7];
	_ =	sdelay $0x3  }
0x34: {  	[smem:$0x3FB7] =	sst s10  }
0x35: {  	s10 =	sld [smem:$0x3FB6];
	_ =	sdelay $0x3  }
0x36: {  	p1 =	seq.s32 s10, $0x1;
	s10 =	sld [smem:$0x3FB7];
	_ =	sdelay $0x3  }
0x37: {  	[smem:$0x3FB7] =	sst s10  }
0x38: {  	s10 =	sld [smem:$0x3FB8]  }
0x39: {  	_ = 	snop;
	(pc) =	sbr.ind lr, $3  }
0x3a: {  	_ = 	snop  }
0x3b: {  	_ = 	snop  }
0x3c: {  	p2 =	seq.s32 s10, $0x1;
	s10 =	sld [smem:$0x3FB7]  }
0x3d: {  	_ =	shalt  }
0x3e: {  	_ =	shalt  }
0x3f: {  	_ =	shalt  }
0x40: {  	_ =	shalt  }
0x41: {  	_ =	shalt  }
0x42: {  	_ =	shalt  }
0x43: {  	_ =	shalt  }
0x44: {  	_ =	shalt  }
0x45: {  	_ =	shalt  }
0x46: {  	_ =	shalt  }
0x47: {  	_ =	shalt  }
0x48: {  	_ =	shalt  }
0x49: {  	_ =	shalt  }
0x4a: {  	_ =	shalt  }
0x4b: {  	_ =	shalt  }
0x4c: {  	_ =	shalt  }
0x4d: {  	_ =	shalt  }
0x4e: {  	_ =	shalt  }
0x4f: {  	_ =	shalt  }
0x50: {  	_ =	shalt  }
0x51: {  	_ =	shalt  }
0x52: {  	_ =	shalt  }
0x53: {  	_ =	shalt  }
0x54: {  	_ =	shalt  }
0x55: {  	_ =	shalt  }
0x56: {  	_ =	shalt  }
0x57: {  	_ =	shalt  }
0x58: {  	_ =	shalt  }
0x59: {  	_ =	shalt  }
0x5a: {  	_ =	shalt  }
0x5b: {  	_ =	shalt  }
0x5c: {  	_ =	shalt  }
0x5d: {  	_ =	shalt  }
0x5e: {  	_ =	shalt  }
0x5f: {  	_ =	shalt  }
0x60: {  	_ =	shalt  }
0x61: {  	_ =	shalt  }
0x62: {  	_ =	shalt  }
0x63: {  	_ =	shalt  }
0x64: {  	_ =	shalt  }
0x65: {  	_ =	shalt  }
0x66: {  	_ =	shalt  }
0x67: {  	_ =	shalt  }
0x68: {  	_ =	shalt  }
0x69: {  	_ =	shalt  }
0x6a: {  	_ =	shalt  }
0x6b: {  	_ =	shalt  }
0x6c: {  	_ =	shalt  }
0x6d: {  	_ =	shalt  }
0x6e: {  	_ =	shalt  }
0x6f: {  	_ =	shalt  }
0x70: {  	_ =	shalt  }
0x71: {  	_ =	shalt  }
0x72: {  	_ =	shalt  }
0x73: {  	_ =	shalt  }
0x74: {  	_ =	shalt  }
0x75: {  	_ =	shalt  }
0x76: {  	_ =	shalt  }
0x77: {  	_ =	shalt  }
0x78: {  	_ =	shalt  }
0x79: {  	_ =	shalt  }
0x7a: {  	_ =	shalt  }
0x7b: {  	_ =	shalt  }
0x7c: {  	_ =	shalt  }
0x7d: {  	_ =	shalt  }
0x7e: {  	_ =	shalt  }
0x7f: {  	_ =	shalt  }
0x80: {  	_ =	shalt  }
0x81: {  	_ =	shalt  }
0x82: {  	_ =	shalt  }
0x83: {  	_ =	shalt  }
0x84: {  	_ =	shalt  }
0x85: {  	_ =	shalt  }
0x86: {  	_ =	shalt  }
0x87: {  	_ =	shalt  }
.Lfunc_end0:
.L_simem_size_0:
called_computation_lowered:
.L_overlay_start_0:
0x88: {  	s2 =	sld [smem:$0x3FD9]  }
0x89: {  	s3 =	sld [smem:$0x3FFE];
	_ =	sdelay $0x1  }
0x8a: {  	s1 =	srdreg.scid  }
0x8b: {  	s0 =	sand.u32 $0x1, s1  }
0x8c: {  	s18 =	sshll.u32 s0, $0xA;
	s2 =	sadd.s32 s3, s2  }
0x8d: {  	s2 =	sadd.s32 s2, s18  }
0x8e: {  	[smem:$0x3FC3] =	sst s2  }
0x8f: {  	_ = 	snop  }
0x90: {  	s2 =	sld [smem:$0x3FC9]  }
0x91: {  	s19 =	sld [smem:$0x3FC8]  }
0x92: {  	s4 =	sld [smem:$0x3FC7]  }
0x93: {  	s5 =	sld [smem:$0x3FC6]  }
0x94: {  	s6 =	sld [smem:$0x3FC5]  }
0x95: {  	s7 =	sld [smem:$0x3FD0];
	(tm) =	ssettm $0x1  }
0x96: {  	s8 =	sld [smem:$0x3FFB];
	_ =	sdelay $0x3  }
0x97: {  	_ =	strace s8  }
0x98: {  	s8 =	sld [smem:$0x3FFC];
	_ =	sdelay $0x3  }
0x99: {  	_ =	strace s8  }
0x9a: {  	s8 =	sld [smem:$0x3FFD];
	_ =	sdelay $0x3  }
0x9b: {  	_ =	strace s8  }
0x9c: {  	_ =	strace $0x8FFFFFFF  }
0x9d: {  	s20 =	sld [smem:$0x3FDB];
	_ =	sdelay $0x1  }
0x9e: {  	s9 =	simm.s32 $_scs_section_size  }
0x9f: {  	s10 =	simm.s32 $_size__tile_overlayer_lowered;
	s11 =	simm.s32 $_tile_overlayer_lowered  }
0xa0: {  	s23 =	simm.s32 $0x1BFF;
	s22 =	sshll.u32 s11, $0x1;
	s8 =	sadd.s32 s9, s20  }
0xa1: {  	s12 =	simm.s32 $0x0;
	s21 =	sshll.u32 s10, $0x1;
	s10 =	sadd.s32 s22, s8  }
0xa2: {  	[timem:s12], [sflag:s23] =	dma.local [hbm:s10], s21  }
0xa3: {  	_ =	swait.ge [sflag:s23], s21  }
0xa4: {  	s9 =	ssub.s32 $0x0, s21;
	[sflag:s23] =	ssyncset.done $0x0  }
0xa5: {  	[sflag:s23] =	ssyncadd.s32 s9;
	_ =	sdelay $0x1  }
0xa6: {  	s24 =	simm.s32 $0x1B8B  }
0xa7: {  	_ =	swait.ge [sflag:s24], $0x1  }
0xa8: {  	[sflag:s24] =	ssyncset.done $0x0  }
0xa9: {  	s25 =	simm.s32 $0x1B8E;
	[sflag:s24] =	ssyncadd.s32 $0xFFFFFFFF  }
0xaa: {  	s26 =	simm.s32 $execute0_lowered;
	[smem:$0x3FD2] =	sst s25  }
0xab: {  	s9 =	sshll.u32 s26, $0x1;
	_ =	strace $0x80000046;
	[dreg:$0x1] =	wrdreg $0xFFFFFFFF  }
0xac: {  	s28 =	simm.s32 $_size_execute0_lowered;
	s8 =	sadd.s32 s8, s9;
	[dreg:$0x0] =	wrdreg $0x0  }
0xad: {  	s9 =	sshll.u32 s28, $0x1;
	[dreg:$0x2] =	wrdreg s8  }
0xae: {  	[dreg:$0x3] =	wrdreg s9  }
0xaf: {  	[dreg:$0x4] =	wrdreg $0xC0  }
0xb0: {  	_ =	task [dreg:s12], $0x5FFFF  }
0xb1: {  	[dreg:$0x1] =	wrdreg $0xFFFFFFFF  }
0xb2: {  	[dreg:$0x0] =	wrdreg $0x60  }
0xb3: {  	[dreg:$0x2] =	wrdreg s2  }
0xb4: {  	[dreg:$0x3] =	wrdreg s19  }
0xb5: {  	[dreg:$0x4] =	wrdreg s4  }
0xb6: {  	[dreg:$0x5] =	wrdreg s5  }
0xb7: {  	[dreg:$0x6] =	wrdreg s6  }
0xb8: {  	[dreg:$0x7] =	wrdreg s7  }
0xb9: {  	[dreg:$0x8] =	wrdreg $0x2000  }
0xba: {  	[dreg:$0x9] =	wrdreg $0x9  }
0xbb: {  	_ =	task.clear_ibuf [dreg:s12], $0xAFFFF;
	_ =	strace $0x90000046  }
0xbc: {  	s29 =	simm.s32 $0x9;
	_ =	strace $0x80000048  }
0xbd: {  	_ =	swait.ge [sflag:s29], $0x1  }
0xbe: {  	[sflag:s29] =	ssyncadd.s32 $0xFFFFFFFF  }
0xbf: {  	_ =	strace $0x90000048  }
0xc0: {  	_ =	sfence  }
0xc1: {  	s30 =	sld [smem:$0x0];
	_ =	sdelay $0x2  }
0xc2: {  	s31 =	sshll.u32 s1, $0xD;
	s1 =	sshrl.u32 s1, $0x2  }
0xc3: {  	s3 =	sand.u32 $0x4000, s31;
	s1 =	sadd.s32 s1, s30  }
0xc4: {  	s0 =	sor.u32 s3, s0;
	s1 =	sshll.u32 s1, $0x11  }
0xc5: {  	s0 =	sor.u32 s1, s0  }
0xc6: {  	s0 =	sadd.s32 $0x8F2B, s0  }
0xc7: {  	[sflag:s0] =	ssyncadd.remote.s32 $0x1  }
0xc8: {  	_ =	sfence.sel $0xFFFF  }
0xc9: {  	[dreg:$0x0] =	wrdreg $0xFFFFFFFF;
	(pc) =	sbr.abs _section_cstart, $3  }
0xca: {  	[dreg:$0x1] =	wrdreg $0xFFFFFFFF  }
0xcb: {  	_ =	task.clear_ibuf [dreg:s12], $0x2FFFF;
	_ =	strace $0x9FFFFFFF  }
0xcc: {  	(tm) =	ssettm $0x7FFFFFFF  }
0xcd: {  	_ =	shalt  }
tec
execute0_lowered:
.L_overlay_start_1:
0x0: {  	(tag) =	ssettag $0x1  }
0x1: {  	s9 =	rddreg [dreg:$0x0]  }
0x2: {  	s8 =	rddreg [dreg:$0x1]  }
0x3: {  	s7 =	rddreg [dreg:$0x2]  }
0x4: {  	s6 =	rddreg [dreg:$0x3]  }
0x5: {  	s1 =	rddreg [dreg:$0x4]  }
0x6: {  	s4 =	rddreg [dreg:$0x5]  }
0x7: {  	s2 =	rddreg [dreg:$0x6]  }
0x8: {  	s0 =	rddreg [dreg:$0x7];
	s3 =	simm.s32 $0x0  }
0x9: {  	s5 =	srdreg.scid;
	s10 =	stileid.u32;
	s15 =	simm.s32 $0x0  }
0xa: {  	[smem:$0x7FF] =	sst s3;
	s5 =	sand.u32 $0x1, s5;
	s14 =	smul.u32 $0x640, s10  }
0xb: {  	v0 =	vlaneseq.u32;
	p0 =	sne.s32 s10, $0x0;
	s11 =	ssub.s32 $0x2, s5;
	s12 =	smul.u32 $0x10060, s5  }
0xc: {  	v9 =	vmul.u32 $0x8, v0;
	_ =	strace $0x80000047;
	s5 =	sshll.u32 s5, $0x11;
	s10 =	sshrl.u32 @!p0 s2, $0x3  }
0xd: {  	v1 =	vimm.f32 $1.000000000e+00;
	s13 =	sshrl.u32 s11, $0x1;
	s6 =	sadd.s32 s14, s6;
	s7 =	sadd.s32 s14, s7  }
0xe: {  	v0 =	vmov s5;
	s8 =	sadd.s32 s14, s8;
	s9 =	sadd.s32 s14, s9;
	v2 =	vor.u32 $0x20000, v9;
	v3 =	vor.u32 $0x20001, v9;
	s14 =	simm.s32 $0x180  }
0xf: {  	v4 =	vor.u32 $0x20002, v9;
	v5 =	vor.u32 $0x20003, v9;
	v6 =	vor.u32 $0x20004, v9;
	s11 =	ssub.s32 s11, s13;
	s4 =	sadd.s32 s4, s12;
	s12 =	simm.s32 $0x100  }
0x10: {  	v7 =	vor.u32 $0x20005, v9;
	v8 =	vor.u32 $0x20006, v9;
	v9 =	vor.u32 $0x20007, v9;
	s13 =	simm.s32 $0x80;
	s5 =	smax.u32 s11, $0x1;
	s11 =	simm.s32 $0x1  }
.LBB2_1:
0x11: {  	s16 =	simm.s32 @!p0 $0x1C01  }
0x12: {  	[spmem:s10], [sflag:s16] =	dma.local @!p0 [hbm:s1], $0x10060  }
0x13: {  	s16 =	simm.s32 @!p0 $0x1  }
0x14: {  	_ =	swait.ge @!p0 [sflag:s16], $0x10060  }
0x15: {  	[sflag:s16] =	ssyncset.done @!p0 $0x0  }
0x16: {  	[sflag:s16] =	ssyncadd.s32 @!p0 $0xFFFEFFA0  }
0x17: {  	[tilespmem:$0x180] =	vst v1  }
0x18: {  	[tilespmem:$0x190] =	vst v1  }
0x19: {  	[tilespmem:$0x1A0] =	vst v1  }
0x1a: {  	[tilespmem:$0x1B0] =	vst v1  }
0x1b: {  	[tilespmem:$0x1C0] =	vst v1  }
0x1c: {  	[tilespmem:$0x1D0] =	vst v1  }
0x1d: {  	[tilespmem:$0x1E0] =	vst v1  }
0x1e: {  	[tilespmem:$0x1F0] =	vst v1  }
0x1f: {  	s29 =	sadd.s32 $0x0, s9;
	[bflag:$0x0] =	sbarrier.arrive $0xFFFF  }
0x20: {  	[tilespmem:s3], [sflag:$0x1] =	stream.linear.gather [hbm4b:s29+s3], $0x80, $0x38;
	[tilespmem:$0x8230] =	vst v63  }
0x21: {  	_ =	swait.ge [sflag:s11], $0x80  }
0x22: {  	[sflag:s11] =	ssyncset.done $0x0  }
0x23: {  	[sflag:s11] =	ssyncadd.s32 $0xFFFFFF80  }
0x24: {  	v10 =	vld [tilespmem:$0x0]  }
0x25: {  	v11 =	vld [tilespmem:$0x30];
	_ =	sdelay $0x1  }
0x26: {  	v12 =	vld [tilespmem:$0x10]  }
0x27: {  	v13 =	vld [tilespmem:$0x70]  }
0x28: {  	v14 =	vld [tilespmem:$0x40];
	v10 =	vsub.s32 v10, v0  }
0x29: {  	v15 =	vld [tilespmem:$0x50];
	v11 =	vsub.s32 v11, v0;
	vm0 =	vlt.u32 v10, $0x20000  }
0x2a: {  	vm10 =	vlt.u32 v11, $0x20000;
	v10 =	vsel vm0, v10, v2  }
0x2b: {  	v16 =	vld [tilespmem:$0x20];
	v12 =	vsub.s32 v12, v0;
	v11 =	vsel vm10, v11, v5;
	[tilespmem:$0x0] =	vst v10  }
0x2c: {  	v17 =	vld [tilespmem:$0x60];
	vm11 =	vlt.u32 v12, $0x20000;
	[tilespmem:$0x30] =	vst v11;
	v11 =	vsub.s32 v13, v0  }
0x2d: {  	v12 =	vsel vm11, v12, v3;
	v13 =	vsub.s32 v14, v0;
	[tilespmem:$0x80] =	vst v10;
	vm12 =	vlt.u32 v11, $0x20000;
	v10 =	vld [tilespmem:$0x30]  }
0x2e: {  	v14 =	vsub.s32 v15, v0;
	[tilespmem:$0x10] =	vst v12;
	vm1 =	vlt.u32 v13, $0x20000;
	v11 =	vsel vm12, v11, v9  }
0x2f: {  	vm13 =	vlt.u32 v14, $0x20000;
	v12 =	vsel vm1, v13, v6;
	[tilespmem:$0x70] =	vst v11  }
0x30: {  	v15 =	vld [tilespmem:$0x10];
	v11 =	vsub.s32 v16, v0;
	[tilespmem:$0x40] =	vst v12;
	v12 =	vsel vm13, v14, v7  }
0x31: {  	v14 =	vsub.s32 v17, v0;
	v13 =	vld [tilespmem:$0x70];
	vm14 =	vlt.u32 v11, $0x20000;
	[tilespmem:$0x50] =	vst v12  }
0x32: {  	v12 =	vld [tilespmem:$0x40];
	vm15 =	vlt.u32 v14, $0x20000;
	v11 =	vsel vm14, v11, v4;
	[tilespmem:$0xB0] =	vst v10  }
0x33: {  	v14 =	vsel vm15, v14, v8;
	v10 =	vld [tilespmem:$0x50];
	[tilespmem:$0x20] =	vst v11  }
0x34: {  	[tilespmem:$0x60] =	vst v14;
	v11 =	vld [tilespmem:$0x20]  }
0x35: {  	[tilespmem:$0x90] =	vst v15;
	v14 =	vld [tilespmem:$0x60]  }
0x36: {  	[tilespmem:$0xF0] =	vst v13  }
0x37: {  	[tilespmem:$0xC0] =	vst v12  }
0x38: {  	[tilespmem:$0xD0] =	vst v10  }
0x39: {  	[tilespmem:$0xA0] =	vst v11  }
0x3a: {  	s30 =	sadd.s32 $0x0, s8;
	[tilespmem:$0xE0] =	vst v14  }
0x3b: {  	[tilespmem:s12], [sflag:$0x1] =	stream.linear.gather [hbm4b:s30+s3], $0x80, $0x38;
	[tilespmem:$0x8230] =	vst v63  }
0x3c: {  	_ =	swait.ge [sflag:s11], $0x80  }
0x3d: {  	[sflag:s11] =	ssyncset.done $0x0  }
0x3e: {  	[sflag:s11] =	ssyncadd.s32 $0xFFFFFF80  }
0x3f: {  	[spmem:s2] =	stream.indirect.scatter.add.f32 [tilespmem:s12], [sflag:$0x1], $0x1, s13, s13, $0xb8;
	[tilespmem:$0x8230] =	vst v63  }
0x40: {  	_ =	swait.ge [sflag:s11], $0x80  }
0x41: {  	[sflag:s11] =	ssyncset.done $0x0  }
0x42: {  	[sflag:s11] =	ssyncadd.s32 $0xFFFFFF80  }
0x43: {  	v10 =	vld [tilespmem:$0x60]  }
0x44: {  	v11 =	vld [tilespmem:$0x0]  }
0x45: {  	v12 =	vld [tilespmem:$0x50]  }
0x46: {  	v14 =	vld [tilespmem:$0x10]  }
0x47: {  	v13 =	vld [tilespmem:$0x70]  }
0x48: {  	v63 =	vld [tilespmem:$0x20];
	v10 =	vadd.s32 $0x200C0, v10  }
0x49: {  	v15 =	vld [tilespmem:$0x30];
	v11 =	vadd.s32 $0x200C0, v11;
	[tilespmem:$0xE0] =	vst v10  }
0x4a: {  	[tilespmem:$0x80] =	vst v11;
	v10 =	vld [tilespmem:$0x40];
	v11 =	vadd.s32 $0x200C0, v12  }
0x4b: {  	v12 =	vadd.s32 $0x200C0, v14;
	[tilespmem:$0xD0] =	vst v11  }
0x4c: {  	v11 =	vadd.s32 $0x200C0, v13;
	[tilespmem:$0x90] =	vst v12  }
0x4d: {  	v12 =	vadd.s32 $0x200C0, v63;
	[tilespmem:$0xF0] =	vst v11  }
0x4e: {  	v11 =	vadd.s32 $0x200C0, v15;
	[tilespmem:$0xA0] =	vst v12  }
0x4f: {  	[tilespmem:$0xB0] =	vst v11;
	v10 =	vadd.s32 $0x200C0, v10  }
0x50: {  	s31 =	sadd.s32 $0x0, s7;
	[tilespmem:$0xC0] =	vst v10  }
0x51: {  	[tilespmem:s12], [sflag:$0x1] =	stream.linear.gather [hbm4b:s31+s3], $0x80, $0x38;
	[tilespmem:$0x8230] =	vst v63  }
0x52: {  	_ =	swait.ge [sflag:s11], $0x80  }
0x53: {  	[sflag:s11] =	ssyncset.done $0x0  }
0x54: {  	[sflag:s11] =	ssyncadd.s32 $0xFFFFFF80  }
0x55: {  	[spmem:s2] =	stream.indirect.scatter.add.f32 [tilespmem:s12], [sflag:$0x1], $0x1, s13, s13, $0xb8;
	[tilespmem:$0x8230] =	vst v63  }
0x56: {  	_ =	swait.ge [sflag:s11], $0x80  }
0x57: {  	[sflag:s11] =	ssyncset.done $0x0  }
0x58: {  	[sflag:s11] =	ssyncadd.s32 $0xFFFFFF80  }
0x59: {  	v10 =	vld [tilespmem:$0x0]  }
0x5a: {  	v14 =	vld [tilespmem:$0x10]  }
0x5b: {  	v13 =	vld [tilespmem:$0x20]  }
0x5c: {  	v12 =	vld [tilespmem:$0x30]  }
0x5d: {  	s17 =	simm.s32 $0x10;
	s16 =	simm.s32 $0x0;
	v11 =	vld [tilespmem:$0x40]  }
.LBB2_2:
0x5e: {  	p1 =	sne.s32 s17, $0x630;
	v15 =	vld [tilespmem:$0x50];
	s18 =	smov.u32 s17;
	s17 =	sadd.s32 $0x10, s17  }
0x5f: {  	v14 =	vadd.s32 $0x40180, v14;
	v16 =	vld [tilespmem:$0x60]  }
0x60: {  	[tilespmem:$0x90] =	vst v14;
	v13 =	vadd.s32 $0x40180, v13;
	v14 =	vld [tilespmem:$0x70]  }
0x61: {  	[tilespmem:$0xA0] =	vst v13;
	v12 =	vadd.s32 $0x40180, v12  }
0x62: {  	[tilespmem:$0xB0] =	vst v12;
	v11 =	vadd.s32 $0x40180, v11  }
0x63: {  	v10 =	vadd.s32 $0x40180, v10;
	[tilespmem:$0xC0] =	vst v11;
	v11 =	vadd.s32 $0x40180, v15  }
0x64: {  	[tilespmem:$0x80] =	vst v10;
	v10 =	vadd.s32 $0x40180, v16  }
0x65: {  	[tilespmem:$0xE0] =	vst v10;
	v10 =	vadd.s32 $0x40180, v14  }
0x66: {  	[tilespmem:$0xF0] =	vst v10  }
0x67: {  	s19 =	sadd.s32 s16, s6;
	s16 =	smov.u32 s18;
	[tilespmem:$0xD0] =	vst v11  }
0x68: {  	[tilespmem:s12], [sflag:$0x1] =	stream.linear.gather [hbm4b:s19+s3], $0x80, $0x38;
	[tilespmem:$0x8230] =	vst v63  }
0x69: {  	_ =	swait.ge [sflag:s11], $0x80  }
0x6a: {  	[sflag:s11] =	ssyncset.done $0x0  }
0x6b: {  	[sflag:s11] =	ssyncadd.s32 $0xFFFFFF80  }
0x6c: {  	[spmem:s2] =	stream.indirect.scatter.add.f32 [tilespmem:s12], [sflag:$0x1], $0x1, s13, s13, $0xb8;
	[tilespmem:$0x8230] =	vst v63  }
0x6d: {  	_ =	swait.ge [sflag:s11], $0x80  }
0x6e: {  	[sflag:s11] =	ssyncset.done $0x0  }
0x6f: {  	[sflag:s11] =	ssyncadd.s32 $0xFFFFFF80  }
0x70: {  	v10 =	vld [tilespmem:$0x0]  }
0x71: {  	v11 =	vld [tilespmem:$0x10]  }
0x72: {  	v12 =	vld [tilespmem:$0x20]  }
0x73: {  	v13 =	vld [tilespmem:$0x30]  }
0x74: {  	v14 =	vld [tilespmem:$0x50]  }
0x75: {  	v10 =	vadd.s32 $0x60240, v10;
	v15 =	vld [tilespmem:$0x60]  }
0x76: {  	[tilespmem:$0x80] =	vst v10;
	v10 =	vadd.s32 $0x60240, v11;
	v11 =	vld [tilespmem:$0x70]  }
0x77: {  	[tilespmem:$0x90] =	vst v10;
	v10 =	vadd.s32 $0x60240, v12;
	v12 =	vld [tilespmem:$0x40]  }
0x78: {  	[tilespmem:$0xA0] =	vst v10;
	v10 =	vadd.s32 $0x60240, v13  }
0x79: {  	[tilespmem:$0xB0] =	vst v10;
	v10 =	vadd.s32 $0x60240, v14  }
0x7a: {  	[tilespmem:$0xD0] =	vst v10;
	v10 =	vadd.s32 $0x60240, v15  }
0x7b: {  	[tilespmem:$0xE0] =	vst v10;
	v10 =	vadd.s32 $0x60240, v11  }
0x7c: {  	v11 =	vadd.s32 $0x60240, v12;
	[tilespmem:$0xF0] =	vst v10  }
0x7d: {  	[tilespmem:$0xC0] =	vst v11  }
0x7e: {  	[spmem:s2] =	stream.indirect.scatter.add.f32 [tilespmem:s14], [sflag:$0x1], $0x1, s13, s13, $0xb8;
	[tilespmem:$0x8230] =	vst v63  }
0x7f: {  	_ =	swait.ge [sflag:s11], $0x80  }
0x80: {  	[sflag:s11] =	ssyncset.done $0x0  }
0x81: {  	[sflag:s11] =	ssyncadd.s32 $0xFFFFFF80  }
0x82: {  	s18 =	sadd.s32 s16, s9  }
0x83: {  	[tilespmem:s3], [sflag:$0x1] =	stream.linear.gather [hbm4b:s18+s3], $0x80, $0x38;
	[tilespmem:$0x8230] =	vst v63  }
0x84: {  	_ =	swait.ge [sflag:s11], $0x80  }
0x85: {  	[sflag:s11] =	ssyncset.done $0x0  }
0x86: {  	[sflag:s11] =	ssyncadd.s32 $0xFFFFFF80  }
0x87: {  	v10 =	vld [tilespmem:$0x0]  }
0x88: {  	v11 =	vld [tilespmem:$0x30]  }
0x89: {  	v12 =	vld [tilespmem:$0x10]  }
0x8a: {  	v13 =	vld [tilespmem:$0x50]  }
0x8b: {  	v14 =	vld [tilespmem:$0x70]  }
0x8c: {  	v10 =	vsub.s32 v10, v0;
	v15 =	vld [tilespmem:$0x40]  }
0x8d: {  	vm0 =	vlt.u32 v10, $0x20000;
	v11 =	vsub.s32 v11, v0;
	v16 =	vld [tilespmem:$0x60]  }
0x8e: {  	v10 =	vsel vm0, v10, v2;
	v17 =	vld [tilespmem:$0x20];
	vm0 =	vlt.u32 v11, $0x20000  }
0x8f: {  	v12 =	vsub.s32 v12, v0;
	[tilespmem:$0x0] =	vst v10;
	v11 =	vsel vm0, v11, v5;
	v13 =	vsub.s32 v13, v0  }
0x90: {  	vm0 =	vlt.u32 v12, $0x20000;
	[tilespmem:$0x30] =	vst v11;
	vm1 =	vlt.u32 v13, $0x20000;
	v11 =	vsub.s32 v14, v0  }
0x91: {  	v12 =	vsel vm0, v12, v3;
	v14 =	vsub.s32 v15, v0;
	vm0 =	vlt.u32 v11, $0x20000;
	[tilespmem:$0x80] =	vst v10;
	v10 =	vld [tilespmem:$0x30]  }
0x92: {  	[tilespmem:$0x10] =	vst v12;
	vm2 =	vlt.u32 v14, $0x20000;
	v12 =	vsub.s32 v16, v0;
	v11 =	vsel vm0, v11, v9  }
0x93: {  	v15 =	vsub.s32 v17, v0;
	v14 =	vsel vm2, v14, v6;
	vm0 =	vlt.u32 v12, $0x20000;
	[tilespmem:$0x70] =	vst v11;
	v11 =	vld [tilespmem:$0x10]  }
0x94: {  	v13 =	vsel vm1, v13, v7;
	vm2 =	vlt.u32 v15, $0x20000;
	[tilespmem:$0x40] =	vst v14;
	v12 =	vsel vm0, v12, v8;
	v14 =	vld [tilespmem:$0x70]  }
0x95: {  	v15 =	vsel vm2, v15, v4;
	[tilespmem:$0x50] =	vst v13;
	v13 =	vld [tilespmem:$0x40]  }
0x96: {  	[tilespmem:$0xB0] =	vst v10;
	v10 =	vld [tilespmem:$0x50]  }
0x97: {  	[tilespmem:$0x20] =	vst v15  }
0x98: {  	[tilespmem:$0x60] =	vst v12;
	v12 =	vld [tilespmem:$0x20]  }
0x99: {  	v15 =	vld [tilespmem:$0x60];
	[tilespmem:$0xF0] =	vst v14  }
0x9a: {  	[tilespmem:$0xC0] =	vst v13  }
0x9b: {  	[tilespmem:$0xD0] =	vst v10  }
0x9c: {  	[tilespmem:$0x90] =	vst v11  }
0x9d: {  	[tilespmem:$0xA0] =	vst v12  }
0x9e: {  	s18 =	sadd.s32 s16, s8;
	[tilespmem:$0xE0] =	vst v15  }
0x9f: {  	[tilespmem:s12], [sflag:$0x1] =	stream.linear.gather [hbm4b:s18+s3], $0x80, $0x38;
	[tilespmem:$0x8230] =	vst v63  }
0xa0: {  	_ =	swait.ge [sflag:s11], $0x80  }
0xa1: {  	[sflag:s11] =	ssyncset.done $0x0  }
0xa2: {  	[sflag:s11] =	ssyncadd.s32 $0xFFFFFF80  }
0xa3: {  	[spmem:s2] =	stream.indirect.scatter.add.f32 [tilespmem:s12], [sflag:$0x1], $0x1, s13, s13, $0xb8;
	[tilespmem:$0x8230] =	vst v63  }
0xa4: {  	_ =	swait.ge [sflag:s11], $0x80  }
0xa5: {  	[sflag:s11] =	ssyncset.done $0x0  }
0xa6: {  	[sflag:s11] =	ssyncadd.s32 $0xFFFFFF80  }
0xa7: {  	v10 =	vld [tilespmem:$0x60]  }
0xa8: {  	v11 =	vld [tilespmem:$0x0]  }
0xa9: {  	v12 =	vld [tilespmem:$0x50]  }
0xaa: {  	v13 =	vld [tilespmem:$0x70]  }
0xab: {  	v14 =	vld [tilespmem:$0x10]  }
0xac: {  	v15 =	vld [tilespmem:$0x30];
	v10 =	vadd.s32 $0x200C0, v10  }
0xad: {  	v11 =	vadd.s32 $0x200C0, v11;
	v16 =	vld [tilespmem:$0x20];
	[tilespmem:$0xE0] =	vst v10  }
0xae: {  	[tilespmem:$0x80] =	vst v11;
	v10 =	vld [tilespmem:$0x40];
	v11 =	vadd.s32 $0x200C0, v12  }
0xaf: {  	[tilespmem:$0xD0] =	vst v11;
	v11 =	vadd.s32 $0x200C0, v13  }
0xb0: {  	v12 =	vadd.s32 $0x200C0, v14;
	[tilespmem:$0xF0] =	vst v11  }
0xb1: {  	[tilespmem:$0x90] =	vst v12;
	v11 =	vadd.s32 $0x200C0, v15  }
0xb2: {  	v12 =	vadd.s32 $0x200C0, v16;
	[tilespmem:$0xB0] =	vst v11  }
0xb3: {  	v10 =	vadd.s32 $0x200C0, v10  }
0xb4: {  	[tilespmem:$0xA0] =	vst v12  }
0xb5: {  	s18 =	sadd.s32 s16, s7;
	[tilespmem:$0xC0] =	vst v10  }
0xb6: {  	[tilespmem:s12], [sflag:$0x1] =	stream.linear.gather [hbm4b:s18+s3], $0x80, $0x38;
	[tilespmem:$0x8230] =	vst v63  }
0xb7: {  	_ =	swait.ge [sflag:s11], $0x80  }
0xb8: {  	[sflag:s11] =	ssyncset.done $0x0  }
0xb9: {  	[sflag:s11] =	ssyncadd.s32 $0xFFFFFF80  }
0xba: {  	[spmem:s2] =	stream.indirect.scatter.add.f32 [tilespmem:s12], [sflag:$0x1], $0x1, s13, s13, $0xb8;
	[tilespmem:$0x8230] =	vst v63  }
0xbb: {  	_ =	swait.ge [sflag:s11], $0x80  }
0xbc: {  	[sflag:s11] =	ssyncset.done $0x0  }
0xbd: {  	[sflag:s11] =	ssyncadd.s32 $0xFFFFFF80  }
.Ltmp0:
0xbe: {  	v10 =	vld [tilespmem:$0x0];
	(pc) =	sbr.rel @p1 .LBB2_2-.Ltmp0, $4  }
0xbf: {  	v14 =	vld [tilespmem:$0x10]  }
0xc0: {  	v13 =	vld [tilespmem:$0x20]  }
0xc1: {  	v12 =	vld [tilespmem:$0x30]  }
0xc2: {  	v11 =	vld [tilespmem:$0x40]  }
0xc3: {  	v15 =	vld [tilespmem:$0x60];
	v10 =	vadd.s32 $0x40180, v10  }
0xc4: {  	v16 =	vld [tilespmem:$0x50];
	v14 =	vadd.s32 $0x40180, v14;
	[tilespmem:$0x80] =	vst v10  }
0xc5: {  	v58 =	vld [tilespmem:$0x70];
	[tilespmem:$0x90] =	vst v14;
	v13 =	vadd.s32 $0x40180, v13  }
0xc6: {  	[tilespmem:$0xA0] =	vst v13;
	v12 =	vadd.s32 $0x40180, v12  }
0xc7: {  	[tilespmem:$0xB0] =	vst v12;
	v11 =	vadd.s32 $0x40180, v11  }
0xc8: {  	[tilespmem:$0xC0] =	vst v11;
	v10 =	vadd.s32 $0x40180, v15  }
0xc9: {  	v11 =	vadd.s32 $0x40180, v16;
	[tilespmem:$0xE0] =	vst v10  }
0xca: {  	v10 =	vadd.s32 $0x40180, v58;
	[tilespmem:$0xD0] =	vst v11  }
0xcb: {  	s16 =	sadd.s32 s16, s6;
	[tilespmem:$0xF0] =	vst v10  }
0xcc: {  	[tilespmem:s12], [sflag:$0x1] =	stream.linear.gather [hbm4b:s16+s3], $0x80, $0x38;
	[tilespmem:$0x8230] =	vst v63  }
0xcd: {  	_ =	swait.ge [sflag:s11], $0x80  }
0xce: {  	[sflag:s11] =	ssyncset.done $0x0  }
0xcf: {  	[sflag:s11] =	ssyncadd.s32 $0xFFFFFF80  }
0xd0: {  	[spmem:s2] =	stream.indirect.scatter.add.f32 [tilespmem:s12], [sflag:$0x1], $0x1, s13, s13, $0xb8;
	[tilespmem:$0x8230] =	vst v63  }
0xd1: {  	_ =	swait.ge [sflag:s11], $0x80  }
0xd2: {  	[sflag:s11] =	ssyncset.done $0x0  }
0xd3: {  	[sflag:s11] =	ssyncadd.s32 $0xFFFFFF80  }
0xd4: {  	v10 =	vld [tilespmem:$0x0]  }
0xd5: {  	v11 =	vld [tilespmem:$0x10]  }
0xd6: {  	v59 =	vld [tilespmem:$0x20]  }
0xd7: {  	v60 =	vld [tilespmem:$0x30]  }
0xd8: {  	v61 =	vld [tilespmem:$0x50]  }
0xd9: {  	v62 =	vld [tilespmem:$0x60];
	v10 =	vadd.s32 $0x60240, v10  }
0xda: {  	[tilespmem:$0x80] =	vst v10;
	v10 =	vadd.s32 $0x60240, v11;
	v11 =	vld [tilespmem:$0x70]  }
0xdb: {  	v63 =	vld [tilespmem:$0x40];
	[tilespmem:$0x90] =	vst v10;
	v10 =	vadd.s32 $0x60240, v59  }
0xdc: {  	[tilespmem:$0xA0] =	vst v10;
	v10 =	vadd.s32 $0x60240, v60  }
0xdd: {  	[tilespmem:$0xB0] =	vst v10;
	v10 =	vadd.s32 $0x60240, v61  }
0xde: {  	[tilespmem:$0xD0] =	vst v10;
	v10 =	vadd.s32 $0x60240, v62  }
0xdf: {  	[tilespmem:$0xE0] =	vst v10;
	v10 =	vadd.s32 $0x60240, v11  }
0xe0: {  	v11 =	vadd.s32 $0x60240, v63;
	[tilespmem:$0xF0] =	vst v10  }
0xe1: {  	[tilespmem:$0xC0] =	vst v11  }
0xe2: {  	[spmem:s2] =	stream.indirect.scatter.add.f32 [tilespmem:s14], [sflag:$0x1], $0x1, s13, s13, $0xb8;
	[tilespmem:$0x8230] =	vst v63  }
0xe3: {  	_ =	swait.ge [sflag:s11], $0x80  }
0xe4: {  	[sflag:s11] =	ssyncset.done $0x0  }
0xe5: {  	s15 =	sadd.s32 $0x1, s15;
	[sflag:s11] =	ssyncadd.s32 $0xFFFFFF80  }
0xe6: {  	p1 =	sne.s32 s15, s5;
	s16 =	simm.s32 @!p0 $0x1C01;
	[bflag:$0x0] =	sbarrier.arrive $0xFFFF  }
0xe7: {  	[hbm:s4], [sflag:s16] =	dma.local @!p0 [spmem:s10], $0x10060  }
.Ltmp1:
0xe8: {  	_ = 	snop;
	(pc) =	sbr.rel @p1 .LBB2_1-.Ltmp1, $4  }
0xe9: {  	s16 =	simm.s32 @!p0 $0x1  }
0xea: {  	_ =	swait.ge @!p0 [sflag:s16], $0x10060  }
0xeb: {  	[sflag:s16] =	ssyncset.done @!p0 $0x0  }
0xec: {  	[sflag:s16] =	ssyncadd.s32 @!p0 $0xFFFEFFA0  }
0xed: {  	_ =	sfence.sel $0x180000  }
0xee: {  	[bflag:$0x0] =	sbarrier.arrive $0xFFFF  }
0xef: {  	_ =	strace $0x90000047  }
0xf0: {  	s0 =	sadd.s32 @!p0 $0x100000, s0;
	[bflag:$0x2] =	sbarrier.arrive $0xFFFF  }
0xf1: {  	[sflag:s0] =	ssyncadd.tile.s32 @!p0 $0x1;
	_ =	shalt  }
.Lfunc_end2:
_tile_overlayer_lowered:
.L_overlay_start_2:
0xf2: {  	(tag) =	ssettag $0x2  }
0xf3: {  	s0 =	rddreg [dreg:$0x0];
	s2 =	stileid.u32  }
0xf4: {  	s1 =	rddreg [dreg:$0x1];
	p0 =	sne.s32 s2, $0x0  }
0xf5: {  	s3 =	rddreg [dreg:$0x2];
	[bflag:$0x3] =	sbarrier.arrive $0xFFFF;
	s2 =	simm.s32 @!p0 $0x1C01  }
0xf6: {  	[timem:s3], [sflag:s2] =	dma.local @!p0 [hbm:s0], s1  }
0xf7: {  	s0 =	simm.s32 @!p0 $0x1  }
0xf8: {  	_ =	swait.ge @!p0 [sflag:s0], s1  }
0xf9: {  	s1 =	ssub.s32 @!p0 $0x0, s1;
	[sflag:s0] =	ssyncset.done @!p0 $0x0  }
0xfa: {  	[sflag:s0] =	ssyncadd.s32 @!p0 s1  }
0xfb: {  	[bflag:$0x3] =	sbarrier.arrive $0xFFFF  }
0xfc: {  	_ =	shalt  }

</sc_bundles>
